<compile_context>
chip_gen: v7x
topology: tpu7x:2x2x1
jax: 0.10.2.dev20260603
libtpu: 0.0.44.dev20260713+nightly
codegen_flags: <defaults>
</compile_context>

<pallas_src>
import functools

import jax
import jax.numpy as jnp
from jax import lax
from jax.experimental import pallas as pl
from jax.experimental.pallas import tpu as pltpu
from jax.experimental.pallas import tpu_sc as plsc

_NC = 2
_NS = 16
_NW = _NC * _NS
_CH = 128
_L = 16


def _linear(x, W, b):
    n, d_in = x.shape
    d_out = W.shape[0]
    blk = 2000

    def body(x_ref, wt_ref, b_ref, h_ref):
        h_ref[...] = (
            jnp.dot(x_ref[...], wt_ref[...], preferred_element_type=jnp.float32)
            + b_ref[...]
        )

    return pl.pallas_call(
        body,
        grid=(n // blk,),
        in_specs=[
            pl.BlockSpec((blk, d_in), lambda i: (i, 0)),
            pl.BlockSpec((d_in, d_out), lambda i: (0, 0)),
            pl.BlockSpec((1, d_out), lambda i: (0, 0)),
        ],
        out_specs=pl.BlockSpec((blk, d_out), lambda i: (i, 0)),
        out_shape=jax.ShapeDtypeStruct((n, d_out), jnp.float32),
    )(x, W.T, b[None, :])


def _combine(partials):
    nc, n, d = partials.shape
    blk = 2000

    def body(p_ref, o_ref):
        o_ref[...] = p_ref[0] + p_ref[1]

    return pl.pallas_call(
        body,
        grid=(n // blk,),
        in_specs=[pl.BlockSpec((nc, blk, d), lambda i: (0, i, 0))],
        out_specs=pl.BlockSpec((blk, d), lambda i: (i, 0)),
        out_shape=jax.ShapeDtypeStruct((n, d), jnp.float32),
    )(partials)


def _sc_aggregate(h, packed, zeros):
    n, d = h.shape
    n_chunks = packed.shape[0]
    base_trips = n_chunks // _NW
    extra = n_chunks % _NW
    rows_per_tile = (n // _NS) // 8 * 8
    tail_rows = n - _NS * rows_per_tile
    assert tail_rows % 8 == 0
    mesh = plsc.VectorSubcoreMesh(core_axis_name="c", subcore_axis_name="s")

    @functools.partial(
        pl.kernel,
        out_type=jax.ShapeDtypeStruct((_NC, n, d), jnp.float32),
        mesh=mesh,
        compiler_params=pltpu.CompilerParams(needs_layout_passes=False),
        scratch_types=[
            pltpu.VMEM((3, _CH), jnp.int32),
            pltpu.VMEM((_CH, d), jnp.float32),
            pltpu.VMEM_SHARED((n, d), jnp.float32),
            pltpu.SemaphoreType.DMA,
        ],
    )
    def agg(h_hbm, p_hbm, z_hbm, out_hbm, ibuf, rows_v, accum, sem):
        cid = lax.axis_index("c")
        sid = lax.axis_index("s")
        wid = cid * _NS + sid

        r0 = sid * rows_per_tile
        pltpu.sync_copy(z_hbm.at[pl.ds(r0, rows_per_tile)],
                        accum.at[pl.ds(r0, rows_per_tile)])
        if tail_rows:
            @pl.when(sid == _NS - 1)
            def _zero_tail():
                t0 = _NS * rows_per_tile
                pltpu.sync_copy(z_hbm.at[pl.ds(t0, tail_rows)],
                                accum.at[pl.ds(t0, tail_rows)])
        plsc.subcore_barrier()

        ntrips = base_trips + jnp.where(wid < extra, 1, 0)

        def body(j, carry):
            c = wid + _NW * j
            pltpu.sync_copy(p_hbm.at[c], ibuf)
            pltpu.async_copy(h_hbm.at[ibuf.at[0]], rows_v, sem).wait()

            @plsc.parallel_loop(0, _CH, unroll=4)
            def _scale(i):
                wv = plsc.bitcast(
                    plsc.load_gather(
                        ibuf,
                        [jnp.full((_L,), 2, jnp.int32),
                         jnp.full((_L,), i, jnp.int32)]),
                    jnp.float32)
                for f in range(d // _L):
                    sl = (i, pl.ds(f * _L, _L))
                    rows_v[sl] = rows_v[sl] * wv

            pltpu.sync_copy(rows_v, accum.at[ibuf.at[1]], add=True)
            return carry

        lax.fori_loop(0, ntrips, body, 0)

        plsc.subcore_barrier()
        pltpu.sync_copy(accum.at[pl.ds(r0, rows_per_tile)],
                        out_hbm.at[cid, pl.ds(r0, rows_per_tile)])
        if tail_rows:
            @pl.when(sid == _NS - 1)
            def _write_tail():
                t0 = _NS * rows_per_tile
                pltpu.sync_copy(accum.at[pl.ds(t0, tail_rows)],
                                out_hbm.at[cid, pl.ds(t0, tail_rows)])

    return agg(h, packed, zeros)


def kernel(x, edge_index, edge_weight, W, b):
    h = _linear(x, W, b)
    zeros = jnp.zeros_like(h)
    wbits = lax.bitcast_convert_type(edge_weight, jnp.int32)
    packed = jnp.stack([
        edge_index[0].reshape(-1, _CH),
        edge_index[1].reshape(-1, _CH),
        wbits.reshape(-1, _CH),
    ], axis=1)
    partials = _sc_aggregate(h, packed, zeros)
    return _combine(partials)

# --- scband reference (transcript-rebuilt; emitter-appended) ---
"""Pipeline reference for scband-gcnconv-dgl-attn-31078383353909 (READ-ONLY COPY).

The authoritative reference and input builder live on the scoring server;
editing this copy changes nothing except your own understanding.
"""

import jax, jax.numpy as jnp
import numpy as np

N_NODES = 10000
N_EDGES = 320000
D_IN = 128
D_OUT = 128


def setup_inputs(seed: int = 0) -> dict:
    key = jax.random.key(seed)
    k_x, k_ei, k_ew, k_w, k_b = jax.random.split(key, 5)
    x = jax.random.normal(k_x, (N_NODES, D_IN), dtype=jnp.float32)
    edge_index = jax.random.randint(k_ei, (2, N_EDGES), 0, N_NODES, dtype=jnp.int32)
    edge_weight = jax.random.uniform(k_ew, (N_EDGES,), dtype=jnp.float32)
    # nn.Linear(input_size, output_size) params: W [out, in], b [out]
    bound = 1.0 / np.sqrt(D_IN)
    W = jax.random.uniform(k_w, (D_OUT, D_IN), dtype=jnp.float32, minval=-bound, maxval=bound)
    b = jax.random.uniform(k_b, (D_OUT,), dtype=jnp.float32, minval=-bound, maxval=bound)
    return {"x": x, "edge_index": edge_index, "edge_weight": edge_weight, "W": W, "b": b}


def reference(x, edge_index, edge_weight, W, b):
    # g.ndata['h'] = self.linear(x)
    h = x @ W.T + b
    # update_all(u_mul_e('h','w','m'), sum('m','h')):
    # message on each edge = h[src] * w[edge]; aggregate = sum over incoming edges at dst
    src = edge_index[0]
    dst = edge_index[1]
    m = h[src] * edge_weight[:, None]
    out = jax.ops.segment_sum(m, dst, num_segments=N_NODES)
    return out

if __name__ == "__main__":
    import jax
    _d = setup_inputs()
    print(jax.jit(kernel)(*tuple(_d.values())))

</pallas_src>

<mosaic_0001>
#map = affine_map<(d0, d1) -> (0, 0)>
#map1 = affine_map<(d0, d1) -> (0, 0, 0)>
module attributes {stable_mosaic.version = 14 : i64} {
  func.func @agg(%arg0: i32, %arg1: i32, %arg2: memref<10000x128xf32, #tpu.memory_space<hbm>>, %arg3: memref<2500x3x128xi32, #tpu.memory_space<hbm>>, %arg4: memref<10000x128xf32, #tpu.memory_space<hbm>>, %arg5: memref<2x10000x128xf32, #tpu.memory_space<hbm>>, %arg6: memref<3x128xi32, #tpu.memory_space<vmem>>, %arg7: memref<128x128xf32, #tpu.memory_space<vmem>>, %arg8: memref<10000x128xf32, #tpu.memory_space<vmem_shared>>, %arg9: memref<!tpu.dma_semaphore, #tpu.memory_space<semaphore_mem>>) attributes {dimension_semantics = [#tpu.dimension_semantics<core_parallel>, #tpu.dimension_semantics<subcore_parallel>], iteration_bounds = array<i64: 2, 16>, scalar_prefetch = 0 : i64, scratch_operands = 4 : i64, tpu.core_type = #tpu.core_type<sc_vector_subcore>, window_params = [{transform_indices = #map}, {transform_indices = #map1}, {transform_indices = #map}, {transform_indices = #map1}]} {
    %mul3A = arith.constant 16 : i32
    %mul3A_0 = arith.muli %arg0, %mul3A : i32
    %add3A = arith.addi %mul3A_0, %arg1 : i32
    %mul3A_1 = arith.constant 624 : i32
    %mul3A_2 = arith.muli %arg1, %mul3A_1 : i32
    "tpu.region"() ({
      %run_scoped3A = tpu.sem_alloc : memref<!tpu.dma_semaphore, #tpu.memory_space<semaphore_mem>>
      %dma_start3A = arith.constant 0 : i32
      %dma_start3A_24 = tpu.memref_slice %arg8[%mul3A_2, %dma_start3A] : memref<10000x128xf32, #tpu.memory_space<vmem_shared>> -> memref<624x128xf32, #tpu.memory_space<vmem_shared>>
      %dma_start3A_25 = arith.constant 0 : i32
      %dma_start3A_26 = tpu.memref_slice %arg4[%mul3A_2, %dma_start3A_25] : memref<10000x128xf32, #tpu.memory_space<hbm>> -> memref<624x128xf32, #tpu.memory_space<hbm>>
      tpu.enqueue_dma source(%dma_start3A_26 : memref<624x128xf32, #tpu.memory_space<hbm>>) target(%dma_start3A_24 : memref<624x128xf32, #tpu.memory_space<vmem_shared>>) target_semaphore(%run_scoped3A : memref<!tpu.dma_semaphore, #tpu.memory_space<semaphore_mem>>)
      %dma_wait3A = arith.constant 0 : i32
      %dma_wait3A_27 = tpu.memref_slice %arg8[%mul3A_2, %dma_wait3A] : memref<10000x128xf32, #tpu.memory_space<vmem_shared>> -> memref<624x128xf32, #tpu.memory_space<vmem_shared>>
      %dma_wait3A_28 = arith.constant 0 : i32
      %dma_wait3A_29 = tpu.memref_slice %arg4[%mul3A_2, %dma_wait3A_28] : memref<10000x128xf32, #tpu.memory_space<hbm>> -> memref<624x128xf32, #tpu.memory_space<hbm>>
      tpu.wait_dma2 semaphore(%run_scoped3A : memref<!tpu.dma_semaphore, #tpu.memory_space<semaphore_mem>>) src(%dma_wait3A_29 : memref<624x128xf32, #tpu.memory_space<hbm>>) dst(%dma_wait3A_27 : memref<624x128xf32, #tpu.memory_space<vmem_shared>>)
      tpu.yield
    }) : () -> ()
    %eq3A = arith.constant 15 : i32
    %eq3A_3 = arith.cmpi eq, %arg1, %eq3A : i32
    %convert_element_type3A = arith.extui %eq3A_3 : i1 to i32
    %cond3A = arith.constant 0 : i32
    %cond3A_4 = arith.cmpi ne, %convert_element_type3A, %cond3A : i32
    scf.if %cond3A_4 {
      "tpu.region"() ({
        %run_scoped3A = tpu.sem_alloc : memref<!tpu.dma_semaphore, #tpu.memory_space<semaphore_mem>>
        %dma_start3A = arith.constant 9984 : i32
        %dma_start3A_24 = arith.constant 0 : i32
        %dma_start3A_25 = tpu.memref_slice %arg8[%dma_start3A, %dma_start3A_24] : memref<10000x128xf32, #tpu.memory_space<vmem_shared>> -> memref<16x128xf32, #tpu.memory_space<vmem_shared>>
        %dma_start3A_26 = arith.constant 9984 : i32
        %dma_start3A_27 = arith.constant 0 : i32
        %dma_start3A_28 = tpu.memref_slice %arg4[%dma_start3A_26, %dma_start3A_27] : memref<10000x128xf32, #tpu.memory_space<hbm>> -> memref<16x128xf32, #tpu.memory_space<hbm>>
        tpu.enqueue_dma source(%dma_start3A_28 : memref<16x128xf32, #tpu.memory_space<hbm>>) target(%dma_start3A_25 : memref<16x128xf32, #tpu.memory_space<vmem_shared>>) target_semaphore(%run_scoped3A : memref<!tpu.dma_semaphore, #tpu.memory_space<semaphore_mem>>)
        %dma_wait3A = arith.constant 9984 : i32
        %dma_wait3A_29 = arith.constant 0 : i32
        %dma_wait3A_30 = tpu.memref_slice %arg8[%dma_wait3A, %dma_wait3A_29] : memref<10000x128xf32, #tpu.memory_space<vmem_shared>> -> memref<16x128xf32, #tpu.memory_space<vmem_shared>>
        %dma_wait3A_31 = arith.constant 9984 : i32
        %dma_wait3A_32 = arith.constant 0 : i32
        %dma_wait3A_33 = tpu.memref_slice %arg4[%dma_wait3A_31, %dma_wait3A_32] : memref<10000x128xf32, #tpu.memory_space<hbm>> -> memref<16x128xf32, #tpu.memory_space<hbm>>
        tpu.wait_dma2 semaphore(%run_scoped3A : memref<!tpu.dma_semaphore, #tpu.memory_space<semaphore_mem>>) src(%dma_wait3A_33 : memref<16x128xf32, #tpu.memory_space<hbm>>) dst(%dma_wait3A_30 : memref<16x128xf32, #tpu.memory_space<vmem_shared>>)
        tpu.yield
      }) : () -> ()
    } else {
    }
    %barrier3A = arith.constant 0 : index
    tpu.barrier barrier_id(%barrier3A)
    %lt3A = arith.constant 4 : i32
    %lt3A_5 = arith.cmpi slt, %add3A, %lt3A : i32
    %jit3A = arith.constant 1 : i32
    %jit3A_6 = arith.constant 0 : i32
    %select_n3A = arith.select %lt3A_5, %jit3A, %jit3A_6 : i32
    %add3A_7 = arith.constant 78 : i32
    %add3A_8 = arith.addi %add3A_7, %select_n3A : i32
    %while3A = arith.constant 0 : i32
    %while3A_9 = arith.constant 0 : i32
    %while3A_10 = arith.subi %add3A_8, %while3A_9 : i32
    %while3A_11 = arith.addi %while3A_9, %while3A_10 : i32
    %while3A_12 = arith.constant 1 : i32
    %while3A_13 = arith.divsi %while3A_10, %while3A_12 : i32
    %while3A_14 = arith.muli %while3A_13, %while3A_12 : i32
    %while3A_15 = arith.addi %while3A_9, %while3A_14 : i32
    %while3A_16 = arith.constant 1 : i32
    scf.for %while3A_24 = %while3A_9 to %while3A_15 step %while3A_16  : i32 {
      %mul3A_25 = arith.constant 32 : i32
      %mul3A_26 = arith.muli %mul3A_25, %while3A_24 : i32
      %add3A_27 = arith.addi %add3A, %mul3A_26 : i32
      "tpu.region"() ({
        %run_scoped3A_42 = tpu.sem_alloc : memref<!tpu.dma_semaphore, #tpu.memory_space<semaphore_mem>>
        %dma_start3A_43 = arith.constant 0 : i32
        %dma_start3A_44 = arith.constant 0 : i32
        %dma_start3A_45 = tpu.memref_slice %arg3[%add3A_27, %dma_start3A_43, %dma_start3A_44] : memref<2500x3x128xi32, #tpu.memory_space<hbm>> -> memref<1x3x128xi32, #tpu.memory_space<hbm>>
        %dma_start3A_46 = tpu.memref_squeeze %dma_start3A_45 : memref<1x3x128xi32, #tpu.memory_space<hbm>> -> memref<3x128xi32, #tpu.memory_space<hbm>>
        %dma_start3A_47 = arith.constant 0 : i32
        %dma_start3A_48 = arith.constant 0 : i32
        %dma_start3A_49 = tpu.memref_slice %arg3[%add3A_27, %dma_start3A_47, %dma_start3A_48] : memref<2500x3x128xi32, #tpu.memory_space<hbm>> -> memref<1x3x128xi32, #tpu.memory_space<hbm>>
        %dma_start3A_50 = tpu.memref_squeeze %dma_start3A_49 : memref<1x3x128xi32, #tpu.memory_space<hbm>> -> memref<3x128xi32, #tpu.memory_space<hbm>>
        tpu.enqueue_dma source(%dma_start3A_50 : memref<3x128xi32, #tpu.memory_space<hbm>>) target(%arg6 : memref<3x128xi32, #tpu.memory_space<vmem>>) target_semaphore(%run_scoped3A_42 : memref<!tpu.dma_semaphore, #tpu.memory_space<semaphore_mem>>)
        %dma_wait3A_51 = arith.constant 0 : i32
        %dma_wait3A_52 = arith.constant 0 : i32
        %dma_wait3A_53 = tpu.memref_slice %arg3[%add3A_27, %dma_wait3A_51, %dma_wait3A_52] : memref<2500x3x128xi32, #tpu.memory_space<hbm>> -> memref<1x3x128xi32, #tpu.memory_space<hbm>>
        %dma_wait3A_54 = tpu.memref_squeeze %dma_wait3A_53 : memref<1x3x128xi32, #tpu.memory_space<hbm>> -> memref<3x128xi32, #tpu.memory_space<hbm>>
        %dma_wait3A_55 = arith.constant 0 : i32
        %dma_wait3A_56 = arith.constant 0 : i32
        %dma_wait3A_57 = tpu.memref_slice %arg3[%add3A_27, %dma_wait3A_55, %dma_wait3A_56] : memref<2500x3x128xi32, #tpu.memory_space<hbm>> -> memref<1x3x128xi32, #tpu.memory_space<hbm>>
        %dma_wait3A_58 = tpu.memref_squeeze %dma_wait3A_57 : memref<1x3x128xi32, #tpu.memory_space<hbm>> -> memref<3x128xi32, #tpu.memory_space<hbm>>
        tpu.wait_dma2 semaphore(%run_scoped3A_42 : memref<!tpu.dma_semaphore, #tpu.memory_space<semaphore_mem>>) src(%dma_wait3A_58 : memref<3x128xi32, #tpu.memory_space<hbm>>) dst(%arg6 : memref<3x128xi32, #tpu.memory_space<vmem>>)
        tpu.yield
      }) : () -> ()
      %dma_start3A = arith.constant 0 : i32
      %dma_start3A_28 = arith.constant 0 : i32
      %dma_start3A_29 = tpu.memref_slice %arg6[%dma_start3A, %dma_start3A_28] : memref<3x128xi32, #tpu.memory_space<vmem>> -> memref<1x128xi32, #tpu.memory_space<vmem>>
      %dma_start3A_30 = tpu.memref_squeeze %dma_start3A_29 : memref<1x128xi32, #tpu.memory_space<vmem>> -> memref<128xi32, #tpu.memory_space<vmem>>
      %dma_start3A_31 = arith.constant 0 : i32
      %dma_start3A_32 = arith.constant 0 : i32
      %dma_start3A_33 = tpu.memref_slice %arg2[%dma_start3A_31, %dma_start3A_32] : memref<10000x128xf32, #tpu.memory_space<hbm>> -> memref<10000x128xf32, #tpu.memory_space<hbm>>
      tpu.enqueue_indirect_dma source(%dma_start3A_33 : memref<10000x128xf32, #tpu.memory_space<hbm>>) target(%arg7 : memref<128x128xf32, #tpu.memory_space<vmem>>) offsets(%dma_start3A_30 : memref<128xi32, #tpu.memory_space<vmem>>) semaphore(%arg9 : memref<!tpu.dma_semaphore, #tpu.memory_space<semaphore_mem>>)
      %dma_wait3A = arith.constant 0 : i32
      %dma_wait3A_34 = arith.constant 0 : i32
      %dma_wait3A_35 = tpu.memref_slice %arg6[%dma_wait3A, %dma_wait3A_34] : memref<3x128xi32, #tpu.memory_space<vmem>> -> memref<1x128xi32, #tpu.memory_space<vmem>>
      %dma_wait3A_36 = tpu.memref_squeeze %dma_wait3A_35 : memref<1x128xi32, #tpu.memory_space<vmem>> -> memref<128xi32, #tpu.memory_space<vmem>>
      %dma_wait3A_37 = arith.constant 0 : i32
      %dma_wait3A_38 = arith.constant 0 : i32
      %dma_wait3A_39 = tpu.memref_slice %arg2[%dma_wait3A_37, %dma_wait3A_38] : memref<10000x128xf32, #tpu.memory_space<hbm>> -> memref<10000x128xf32, #tpu.memory_space<hbm>>
      tpu.wait_indirect_dma semaphore(%arg9 : memref<!tpu.dma_semaphore, #tpu.memory_space<semaphore_mem>>) src(%dma_wait3A_39 : memref<10000x128xf32, #tpu.memory_space<hbm>>) dst(%arg7 : memref<128x128xf32, #tpu.memory_space<vmem>>)
      %parallel_loop3A = arith.constant 0 : i32
      %parallel_loop3A_40 = arith.constant 128 : i32
      %parallel_loop3A_41 = arith.constant 1 : i32
      scf.for %parallel_loop3A_42 = %parallel_loop3A to %parallel_loop3A_40 step %parallel_loop3A_41  : i32 {
        %parallel_loop3A_43 = arith.constant 2 : i32
        %parallel_loop3A_44 = vector.broadcast %parallel_loop3A_43 : i32 to vector<16xi32>
        %parallel_loop3A_45 = vector.broadcast %parallel_loop3A_42 : i32 to vector<16xi32>
        %parallel_loop3A_46 = tpu.vector_load_idx %arg6[%parallel_loop3A_44, %parallel_loop3A_45] : memref<3x128xi32, #tpu.memory_space<vmem>>[vector<16xi32>, vector<16xi32>], vector<16xi32>,
        %parallel_loop3A_47 = vector.bitcast %parallel_loop3A_46 : vector<16xi32> to vector<16xf32>
        %parallel_loop3A_48 = arith.index_cast %parallel_loop3A_42 : i32 to index
        %parallel_loop3A_49 = arith.constant 0 : index
        %parallel_loop3A_50 = tpu.vector_load %arg7[%parallel_loop3A_48, %parallel_loop3A_49] {strides = array<i32>} : memref<128x128xf32, #tpu.memory_space<vmem>>, vector<16xf32>,
        %parallel_loop3A_51 = arith.mulf %parallel_loop3A_50, %parallel_loop3A_47 : vector<16xf32>
        %parallel_loop3A_52 = arith.index_cast %parallel_loop3A_42 : i32 to index
        %parallel_loop3A_53 = arith.constant 0 : index
        %parallel_loop3A_54 = tpu.vector_load %arg7[%parallel_loop3A_52, %parallel_loop3A_53] {strides = array<i32>} : memref<128x128xf32, #tpu.memory_space<vmem>>, vector<16xf32>,
        tpu.vector_store %arg7[%parallel_loop3A_52, %parallel_loop3A_53], %parallel_loop3A_51 {strides = array<i32>} : memref<128x128xf32, #tpu.memory_space<vmem>>, vector<16xf32>,
        %parallel_loop3A_55 = arith.index_cast %parallel_loop3A_42 : i32 to index
        %parallel_loop3A_56 = arith.constant 16 : index
        %parallel_loop3A_57 = tpu.vector_load %arg7[%parallel_loop3A_55, %parallel_loop3A_56] {strides = array<i32>} : memref<128x128xf32, #tpu.memory_space<vmem>>, vector<16xf32>,
        %parallel_loop3A_58 = arith.mulf %parallel_loop3A_57, %parallel_loop3A_47 : vector<16xf32>
        %parallel_loop3A_59 = arith.index_cast %parallel_loop3A_42 : i32 to index
        %parallel_loop3A_60 = arith.constant 16 : index
        %parallel_loop3A_61 = tpu.vector_load %arg7[%parallel_loop3A_59, %parallel_loop3A_60] {strides = array<i32>} : memref<128x128xf32, #tpu.memory_space<vmem>>, vector<16xf32>,
        tpu.vector_store %arg7[%parallel_loop3A_59, %parallel_loop3A_60], %parallel_loop3A_58 {strides = array<i32>} : memref<128x128xf32, #tpu.memory_space<vmem>>, vector<16xf32>,
        %parallel_loop3A_62 = arith.index_cast %parallel_loop3A_42 : i32 to index
        %parallel_loop3A_63 = arith.constant 32 : index
        %parallel_loop3A_64 = tpu.vector_load %arg7[%parallel_loop3A_62, %parallel_loop3A_63] {strides = array<i32>} : memref<128x128xf32, #tpu.memory_space<vmem>>, vector<16xf32>,
        %parallel_loop3A_65 = arith.mulf %parallel_loop3A_64, %parallel_loop3A_47 : vector<16xf32>
        %parallel_loop3A_66 = arith.index_cast %parallel_loop3A_42 : i32 to index
        %parallel_loop3A_67 = arith.constant 32 : index
        %parallel_loop3A_68 = tpu.vector_load %arg7[%parallel_loop3A_66, %parallel_loop3A_67] {strides = array<i32>} : memref<128x128xf32, #tpu.memory_space<vmem>>, vector<16xf32>,
        tpu.vector_store %arg7[%parallel_loop3A_66, %parallel_loop3A_67], %parallel_loop3A_65 {strides = array<i32>} : memref<128x128xf32, #tpu.memory_space<vmem>>, vector<16xf32>,
        %parallel_loop3A_69 = arith.index_cast %parallel_loop3A_42 : i32 to index
        %parallel_loop3A_70 = arith.constant 48 : index
        %parallel_loop3A_71 = tpu.vector_load %arg7[%parallel_loop3A_69, %parallel_loop3A_70] {strides = array<i32>} : memref<128x128xf32, #tpu.memory_space<vmem>>, vector<16xf32>,
        %parallel_loop3A_72 = arith.mulf %parallel_loop3A_71, %parallel_loop3A_47 : vector<16xf32>
        %parallel_loop3A_73 = arith.index_cast %parallel_loop3A_42 : i32 to index
        %parallel_loop3A_74 = arith.constant 48 : index
        %parallel_loop3A_75 = tpu.vector_load %arg7[%parallel_loop3A_73, %parallel_loop3A_74] {strides = array<i32>} : memref<128x128xf32, #tpu.memory_space<vmem>>, vector<16xf32>,
        tpu.vector_store %arg7[%parallel_loop3A_73, %parallel_loop3A_74], %parallel_loop3A_72 {strides = array<i32>} : memref<128x128xf32, #tpu.memory_space<vmem>>, vector<16xf32>,
        %parallel_loop3A_76 = arith.index_cast %parallel_loop3A_42 : i32 to index
        %parallel_loop3A_77 = arith.constant 64 : index
        %parallel_loop3A_78 = tpu.vector_load %arg7[%parallel_loop3A_76, %parallel_loop3A_77] {strides = array<i32>} : memref<128x128xf32, #tpu.memory_space<vmem>>, vector<16xf32>,
        %parallel_loop3A_79 = arith.mulf %parallel_loop3A_78, %parallel_loop3A_47 : vector<16xf32>
        %parallel_loop3A_80 = arith.index_cast %parallel_loop3A_42 : i32 to index
        %parallel_loop3A_81 = arith.constant 64 : index
        %parallel_loop3A_82 = tpu.vector_load %arg7[%parallel_loop3A_80, %parallel_loop3A_81] {strides = array<i32>} : memref<128x128xf32, #tpu.memory_space<vmem>>, vector<16xf32>,
        tpu.vector_store %arg7[%parallel_loop3A_80, %parallel_loop3A_81], %parallel_loop3A_79 {strides = array<i32>} : memref<128x128xf32, #tpu.memory_space<vmem>>, vector<16xf32>,
        %parallel_loop3A_83 = arith.index_cast %parallel_loop3A_42 : i32 to index
        %parallel_loop3A_84 = arith.constant 80 : index
        %parallel_loop3A_85 = tpu.vector_load %arg7[%parallel_loop3A_83, %parallel_loop3A_84] {strides = array<i32>} : memref<128x128xf32, #tpu.memory_space<vmem>>, vector<16xf32>,
        %parallel_loop3A_86 = arith.mulf %parallel_loop3A_85, %parallel_loop3A_47 : vector<16xf32>
        %parallel_loop3A_87 = arith.index_cast %parallel_loop3A_42 : i32 to index
        %parallel_loop3A_88 = arith.constant 80 : index
        %parallel_loop3A_89 = tpu.vector_load %arg7[%parallel_loop3A_87, %parallel_loop3A_88] {strides = array<i32>} : memref<128x128xf32, #tpu.memory_space<vmem>>, vector<16xf32>,
        tpu.vector_store %arg7[%parallel_loop3A_87, %parallel_loop3A_88], %parallel_loop3A_86 {strides = array<i32>} : memref<128x128xf32, #tpu.memory_space<vmem>>, vector<16xf32>,
        %parallel_loop3A_90 = arith.index_cast %parallel_loop3A_42 : i32 to index
        %parallel_loop3A_91 = arith.constant 96 : index
        %parallel_loop3A_92 = tpu.vector_load %arg7[%parallel_loop3A_90, %parallel_loop3A_91] {strides = array<i32>} : memref<128x128xf32, #tpu.memory_space<vmem>>, vector<16xf32>,
        %parallel_loop3A_93 = arith.mulf %parallel_loop3A_92, %parallel_loop3A_47 : vector<16xf32>
        %parallel_loop3A_94 = arith.index_cast %parallel_loop3A_42 : i32 to index
        %parallel_loop3A_95 = arith.constant 96 : index
        %parallel_loop3A_96 = tpu.vector_load %arg7[%parallel_loop3A_94, %parallel_loop3A_95] {strides = array<i32>} : memref<128x128xf32, #tpu.memory_space<vmem>>, vector<16xf32>,
        tpu.vector_store %arg7[%parallel_loop3A_94, %parallel_loop3A_95], %parallel_loop3A_93 {strides = array<i32>} : memref<128x128xf32, #tpu.memory_space<vmem>>, vector<16xf32>,
        %parallel_loop3A_97 = arith.index_cast %parallel_loop3A_42 : i32 to index
        %parallel_loop3A_98 = arith.constant 112 : index
        %parallel_loop3A_99 = tpu.vector_load %arg7[%parallel_loop3A_97, %parallel_loop3A_98] {strides = array<i32>} : memref<128x128xf32, #tpu.memory_space<vmem>>, vector<16xf32>,
        %parallel_loop3A_100 = arith.mulf %parallel_loop3A_99, %parallel_loop3A_47 : vector<16xf32>
        %parallel_loop3A_101 = arith.index_cast %parallel_loop3A_42 : i32 to index
        %parallel_loop3A_102 = arith.constant 112 : index
        %parallel_loop3A_103 = tpu.vector_load %arg7[%parallel_loop3A_101, %parallel_loop3A_102] {strides = array<i32>} : memref<128x128xf32, #tpu.memory_space<vmem>>, vector<16xf32>,
        tpu.vector_store %arg7[%parallel_loop3A_101, %parallel_loop3A_102], %parallel_loop3A_100 {strides = array<i32>} : memref<128x128xf32, #tpu.memory_space<vmem>>, vector<16xf32>,
      } {sc.loop_unroll_factor = 4 : i64, sc.parallel_access}
      %run_scoped3A = arith.constant 1 : i32
      "tpu.region"() ({
        %run_scoped3A_42 = tpu.sem_alloc : memref<!tpu.dma_semaphore, #tpu.memory_space<semaphore_mem>>
        %dma_start3A_43 = arith.constant 0 : i32
        %dma_start3A_44 = tpu.memref_slice %arg6[%run_scoped3A, %dma_start3A_43] : memref<3x128xi32, #tpu.memory_space<vmem>> -> memref<1x128xi32, #tpu.memory_space<vmem>>
        %dma_start3A_45 = tpu.memref_squeeze %dma_start3A_44 : memref<1x128xi32, #tpu.memory_space<vmem>> -> memref<128xi32, #tpu.memory_space<vmem>>
        %dma_start3A_46 = arith.constant 0 : i32
        %dma_start3A_47 = arith.constant 0 : i32
        %dma_start3A_48 = tpu.memref_slice %arg8[%dma_start3A_46, %dma_start3A_47] : memref<10000x128xf32, #tpu.memory_space<vmem_shared>> -> memref<10000x128xf32, #tpu.memory_space<vmem_shared>>
        tpu.enqueue_indirect_dma source(%arg7 : memref<128x128xf32, #tpu.memory_space<vmem>>) target(%dma_start3A_48 : memref<10000x128xf32, #tpu.memory_space<vmem_shared>>) offsets(%dma_start3A_45 : memref<128xi32, #tpu.memory_space<vmem>>) semaphore(%run_scoped3A_42 : memref<!tpu.dma_semaphore, #tpu.memory_space<semaphore_mem>>) {add = true}
        %dma_wait3A_49 = arith.constant 0 : i32
        %dma_wait3A_50 = tpu.memref_slice %arg6[%run_scoped3A, %dma_wait3A_49] : memref<3x128xi32, #tpu.memory_space<vmem>> -> memref<1x128xi32, #tpu.memory_space<vmem>>
        %dma_wait3A_51 = tpu.memref_squeeze %dma_wait3A_50 : memref<1x128xi32, #tpu.memory_space<vmem>> -> memref<128xi32, #tpu.memory_space<vmem>>
        %dma_wait3A_52 = arith.constant 0 : i32
        %dma_wait3A_53 = arith.constant 0 : i32
        %dma_wait3A_54 = tpu.memref_slice %arg8[%dma_wait3A_52, %dma_wait3A_53] : memref<10000x128xf32, #tpu.memory_space<vmem_shared>> -> memref<10000x128xf32, #tpu.memory_space<vmem_shared>>
        tpu.wait_indirect_dma semaphore(%run_scoped3A_42 : memref<!tpu.dma_semaphore, #tpu.memory_space<semaphore_mem>>) src(%arg7 : memref<128x128xf32, #tpu.memory_space<vmem>>) dst(%dma_wait3A_54 : memref<10000x128xf32, #tpu.memory_space<vmem_shared>>)
        tpu.yield
      }) : () -> ()
    }
    %while3A_17 = arith.constant 1 : i32
    scf.for %while3A_24 = %while3A_15 to %while3A_11 step %while3A_17  : i32 {
      %mul3A_25 = arith.constant 32 : i32
      %mul3A_26 = arith.muli %mul3A_25, %while3A_24 : i32
      %add3A_27 = arith.addi %add3A, %mul3A_26 : i32
      "tpu.region"() ({
        %run_scoped3A_42 = tpu.sem_alloc : memref<!tpu.dma_semaphore, #tpu.memory_space<semaphore_mem>>
        %dma_start3A_43 = arith.constant 0 : i32
        %dma_start3A_44 = arith.constant 0 : i32
        %dma_start3A_45 = tpu.memref_slice %arg3[%add3A_27, %dma_start3A_43, %dma_start3A_44] : memref<2500x3x128xi32, #tpu.memory_space<hbm>> -> memref<1x3x128xi32, #tpu.memory_space<hbm>>
        %dma_start3A_46 = tpu.memref_squeeze %dma_start3A_45 : memref<1x3x128xi32, #tpu.memory_space<hbm>> -> memref<3x128xi32, #tpu.memory_space<hbm>>
        %dma_start3A_47 = arith.constant 0 : i32
        %dma_start3A_48 = arith.constant 0 : i32
        %dma_start3A_49 = tpu.memref_slice %arg3[%add3A_27, %dma_start3A_47, %dma_start3A_48] : memref<2500x3x128xi32, #tpu.memory_space<hbm>> -> memref<1x3x128xi32, #tpu.memory_space<hbm>>
        %dma_start3A_50 = tpu.memref_squeeze %dma_start3A_49 : memref<1x3x128xi32, #tpu.memory_space<hbm>> -> memref<3x128xi32, #tpu.memory_space<hbm>>
        tpu.enqueue_dma source(%dma_start3A_50 : memref<3x128xi32, #tpu.memory_space<hbm>>) target(%arg6 : memref<3x128xi32, #tpu.memory_space<vmem>>) target_semaphore(%run_scoped3A_42 : memref<!tpu.dma_semaphore, #tpu.memory_space<semaphore_mem>>)
        %dma_wait3A_51 = arith.constant 0 : i32
        %dma_wait3A_52 = arith.constant 0 : i32
        %dma_wait3A_53 = tpu.memref_slice %arg3[%add3A_27, %dma_wait3A_51, %dma_wait3A_52] : memref<2500x3x128xi32, #tpu.memory_space<hbm>> -> memref<1x3x128xi32, #tpu.memory_space<hbm>>
        %dma_wait3A_54 = tpu.memref_squeeze %dma_wait3A_53 : memref<1x3x128xi32, #tpu.memory_space<hbm>> -> memref<3x128xi32, #tpu.memory_space<hbm>>
        %dma_wait3A_55 = arith.constant 0 : i32
        %dma_wait3A_56 = arith.constant 0 : i32
        %dma_wait3A_57 = tpu.memref_slice %arg3[%add3A_27, %dma_wait3A_55, %dma_wait3A_56] : memref<2500x3x128xi32, #tpu.memory_space<hbm>> -> memref<1x3x128xi32, #tpu.memory_space<hbm>>
        %dma_wait3A_58 = tpu.memref_squeeze %dma_wait3A_57 : memref<1x3x128xi32, #tpu.memory_space<hbm>> -> memref<3x128xi32, #tpu.memory_space<hbm>>
        tpu.wait_dma2 semaphore(%run_scoped3A_42 : memref<!tpu.dma_semaphore, #tpu.memory_space<semaphore_mem>>) src(%dma_wait3A_58 : memref<3x128xi32, #tpu.memory_space<hbm>>) dst(%arg6 : memref<3x128xi32, #tpu.memory_space<vmem>>)
        tpu.yield
      }) : () -> ()
      %dma_start3A = arith.constant 0 : i32
      %dma_start3A_28 = arith.constant 0 : i32
      %dma_start3A_29 = tpu.memref_slice %arg6[%dma_start3A, %dma_start3A_28] : memref<3x128xi32, #tpu.memory_space<vmem>> -> memref<1x128xi32, #tpu.memory_space<vmem>>
      %dma_start3A_30 = tpu.memref_squeeze %dma_start3A_29 : memref<1x128xi32, #tpu.memory_space<vmem>> -> memref<128xi32, #tpu.memory_space<vmem>>
      %dma_start3A_31 = arith.constant 0 : i32
      %dma_start3A_32 = arith.constant 0 : i32
      %dma_start3A_33 = tpu.memref_slice %arg2[%dma_start3A_31, %dma_start3A_32] : memref<10000x128xf32, #tpu.memory_space<hbm>> -> memref<10000x128xf32, #tpu.memory_space<hbm>>
      tpu.enqueue_indirect_dma source(%dma_start3A_33 : memref<10000x128xf32, #tpu.memory_space<hbm>>) target(%arg7 : memref<128x128xf32, #tpu.memory_space<vmem>>) offsets(%dma_start3A_30 : memref<128xi32, #tpu.memory_space<vmem>>) semaphore(%arg9 : memref<!tpu.dma_semaphore, #tpu.memory_space<semaphore_mem>>)
      %dma_wait3A = arith.constant 0 : i32
      %dma_wait3A_34 = arith.constant 0 : i32
      %dma_wait3A_35 = tpu.memref_slice %arg6[%dma_wait3A, %dma_wait3A_34] : memref<3x128xi32, #tpu.memory_space<vmem>> -> memref<1x128xi32, #tpu.memory_space<vmem>>
      %dma_wait3A_36 = tpu.memref_squeeze %dma_wait3A_35 : memref<1x128xi32, #tpu.memory_space<vmem>> -> memref<128xi32, #tpu.memory_space<vmem>>
      %dma_wait3A_37 = arith.constant 0 : i32
      %dma_wait3A_38 = arith.constant 0 : i32
      %dma_wait3A_39 = tpu.memref_slice %arg2[%dma_wait3A_37, %dma_wait3A_38] : memref<10000x128xf32, #tpu.memory_space<hbm>> -> memref<10000x128xf32, #tpu.memory_space<hbm>>
      tpu.wait_indirect_dma semaphore(%arg9 : memref<!tpu.dma_semaphore, #tpu.memory_space<semaphore_mem>>) src(%dma_wait3A_39 : memref<10000x128xf32, #tpu.memory_space<hbm>>) dst(%arg7 : memref<128x128xf32, #tpu.memory_space<vmem>>)
      %parallel_loop3A = arith.constant 0 : i32
      %parallel_loop3A_40 = arith.constant 128 : i32
      %parallel_loop3A_41 = arith.constant 1 : i32
      scf.for %parallel_loop3A_42 = %parallel_loop3A to %parallel_loop3A_40 step %parallel_loop3A_41  : i32 {
        %parallel_loop3A_43 = arith.constant 2 : i32
        %parallel_loop3A_44 = vector.broadcast %parallel_loop3A_43 : i32 to vector<16xi32>
        %parallel_loop3A_45 = vector.broadcast %parallel_loop3A_42 : i32 to vector<16xi32>
        %parallel_loop3A_46 = tpu.vector_load_idx %arg6[%parallel_loop3A_44, %parallel_loop3A_45] : memref<3x128xi32, #tpu.memory_space<vmem>>[vector<16xi32>, vector<16xi32>], vector<16xi32>,
        %parallel_loop3A_47 = vector.bitcast %parallel_loop3A_46 : vector<16xi32> to vector<16xf32>
        %parallel_loop3A_48 = arith.index_cast %parallel_loop3A_42 : i32 to index
        %parallel_loop3A_49 = arith.constant 0 : index
        %parallel_loop3A_50 = tpu.vector_load %arg7[%parallel_loop3A_48, %parallel_loop3A_49] {strides = array<i32>} : memref<128x128xf32, #tpu.memory_space<vmem>>, vector<16xf32>,
        %parallel_loop3A_51 = arith.mulf %parallel_loop3A_50, %parallel_loop3A_47 : vector<16xf32>
        %parallel_loop3A_52 = arith.index_cast %parallel_loop3A_42 : i32 to index
        %parallel_loop3A_53 = arith.constant 0 : index
        %parallel_loop3A_54 = tpu.vector_load %arg7[%parallel_loop3A_52, %parallel_loop3A_53] {strides = array<i32>} : memref<128x128xf32, #tpu.memory_space<vmem>>, vector<16xf32>,
        tpu.vector_store %arg7[%parallel_loop3A_52, %parallel_loop3A_53], %parallel_loop3A_51 {strides = array<i32>} : memref<128x128xf32, #tpu.memory_space<vmem>>, vector<16xf32>,
        %parallel_loop3A_55 = arith.index_cast %parallel_loop3A_42 : i32 to index
        %parallel_loop3A_56 = arith.constant 16 : index
        %parallel_loop3A_57 = tpu.vector_load %arg7[%parallel_loop3A_55, %parallel_loop3A_56] {strides = array<i32>} : memref<128x128xf32, #tpu.memory_space<vmem>>, vector<16xf32>,
        %parallel_loop3A_58 = arith.mulf %parallel_loop3A_57, %parallel_loop3A_47 : vector<16xf32>
        %parallel_loop3A_59 = arith.index_cast %parallel_loop3A_42 : i32 to index
        %parallel_loop3A_60 = arith.constant 16 : index
        %parallel_loop3A_61 = tpu.vector_load %arg7[%parallel_loop3A_59, %parallel_loop3A_60] {strides = array<i32>} : memref<128x128xf32, #tpu.memory_space<vmem>>, vector<16xf32>,
        tpu.vector_store %arg7[%parallel_loop3A_59, %parallel_loop3A_60], %parallel_loop3A_58 {strides = array<i32>} : memref<128x128xf32, #tpu.memory_space<vmem>>, vector<16xf32>,
        %parallel_loop3A_62 = arith.index_cast %parallel_loop3A_42 : i32 to index
        %parallel_loop3A_63 = arith.constant 32 : index
        %parallel_loop3A_64 = tpu.vector_load %arg7[%parallel_loop3A_62, %parallel_loop3A_63] {strides = array<i32>} : memref<128x128xf32, #tpu.memory_space<vmem>>, vector<16xf32>,
        %parallel_loop3A_65 = arith.mulf %parallel_loop3A_64, %parallel_loop3A_47 : vector<16xf32>
        %parallel_loop3A_66 = arith.index_cast %parallel_loop3A_42 : i32 to index
        %parallel_loop3A_67 = arith.constant 32 : index
        %parallel_loop3A_68 = tpu.vector_load %arg7[%parallel_loop3A_66, %parallel_loop3A_67] {strides = array<i32>} : memref<128x128xf32, #tpu.memory_space<vmem>>, vector<16xf32>,
        tpu.vector_store %arg7[%parallel_loop3A_66, %parallel_loop3A_67], %parallel_loop3A_65 {strides = array<i32>} : memref<128x128xf32, #tpu.memory_space<vmem>>, vector<16xf32>,
        %parallel_loop3A_69 = arith.index_cast %parallel_loop3A_42 : i32 to index
        %parallel_loop3A_70 = arith.constant 48 : index
        %parallel_loop3A_71 = tpu.vector_load %arg7[%parallel_loop3A_69, %parallel_loop3A_70] {strides = array<i32>} : memref<128x128xf32, #tpu.memory_space<vmem>>, vector<16xf32>,
        %parallel_loop3A_72 = arith.mulf %parallel_loop3A_71, %parallel_loop3A_47 : vector<16xf32>
        %parallel_loop3A_73 = arith.index_cast %parallel_loop3A_42 : i32 to index
        %parallel_loop3A_74 = arith.constant 48 : index
        %parallel_loop3A_75 = tpu.vector_load %arg7[%parallel_loop3A_73, %parallel_loop3A_74] {strides = array<i32>} : memref<128x128xf32, #tpu.memory_space<vmem>>, vector<16xf32>,
        tpu.vector_store %arg7[%parallel_loop3A_73, %parallel_loop3A_74], %parallel_loop3A_72 {strides = array<i32>} : memref<128x128xf32, #tpu.memory_space<vmem>>, vector<16xf32>,
        %parallel_loop3A_76 = arith.index_cast %parallel_loop3A_42 : i32 to index
        %parallel_loop3A_77 = arith.constant 64 : index
        %parallel_loop3A_78 = tpu.vector_load %arg7[%parallel_loop3A_76, %parallel_loop3A_77] {strides = array<i32>} : memref<128x128xf32, #tpu.memory_space<vmem>>, vector<16xf32>,
        %parallel_loop3A_79 = arith.mulf %parallel_loop3A_78, %parallel_loop3A_47 : vector<16xf32>
        %parallel_loop3A_80 = arith.index_cast %parallel_loop3A_42 : i32 to index
        %parallel_loop3A_81 = arith.constant 64 : index
        %parallel_loop3A_82 = tpu.vector_load %arg7[%parallel_loop3A_80, %parallel_loop3A_81] {strides = array<i32>} : memref<128x128xf32, #tpu.memory_space<vmem>>, vector<16xf32>,
        tpu.vector_store %arg7[%parallel_loop3A_80, %parallel_loop3A_81], %parallel_loop3A_79 {strides = array<i32>} : memref<128x128xf32, #tpu.memory_space<vmem>>, vector<16xf32>,
        %parallel_loop3A_83 = arith.index_cast %parallel_loop3A_42 : i32 to index
        %parallel_loop3A_84 = arith.constant 80 : index
        %parallel_loop3A_85 = tpu.vector_load %arg7[%parallel_loop3A_83, %parallel_loop3A_84] {strides = array<i32>} : memref<128x128xf32, #tpu.memory_space<vmem>>, vector<16xf32>,
        %parallel_loop3A_86 = arith.mulf %parallel_loop3A_85, %parallel_loop3A_47 : vector<16xf32>
        %parallel_loop3A_87 = arith.index_cast %parallel_loop3A_42 : i32 to index
        %parallel_loop3A_88 = arith.constant 80 : index
        %parallel_loop3A_89 = tpu.vector_load %arg7[%parallel_loop3A_87, %parallel_loop3A_88] {strides = array<i32>} : memref<128x128xf32, #tpu.memory_space<vmem>>, vector<16xf32>,
        tpu.vector_store %arg7[%parallel_loop3A_87, %parallel_loop3A_88], %parallel_loop3A_86 {strides = array<i32>} : memref<128x128xf32, #tpu.memory_space<vmem>>, vector<16xf32>,
        %parallel_loop3A_90 = arith.index_cast %parallel_loop3A_42 : i32 to index
        %parallel_loop3A_91 = arith.constant 96 : index
        %parallel_loop3A_92 = tpu.vector_load %arg7[%parallel_loop3A_90, %parallel_loop3A_91] {strides = array<i32>} : memref<128x128xf32, #tpu.memory_space<vmem>>, vector<16xf32>,
        %parallel_loop3A_93 = arith.mulf %parallel_loop3A_92, %parallel_loop3A_47 : vector<16xf32>
        %parallel_loop3A_94 = arith.index_cast %parallel_loop3A_42 : i32 to index
        %parallel_loop3A_95 = arith.constant 96 : index
        %parallel_loop3A_96 = tpu.vector_load %arg7[%parallel_loop3A_94, %parallel_loop3A_95] {strides = array<i32>} : memref<128x128xf32, #tpu.memory_space<vmem>>, vector<16xf32>,
        tpu.vector_store %arg7[%parallel_loop3A_94, %parallel_loop3A_95], %parallel_loop3A_93 {strides = array<i32>} : memref<128x128xf32, #tpu.memory_space<vmem>>, vector<16xf32>,
        %parallel_loop3A_97 = arith.index_cast %parallel_loop3A_42 : i32 to index
        %parallel_loop3A_98 = arith.constant 112 : index
        %parallel_loop3A_99 = tpu.vector_load %arg7[%parallel_loop3A_97, %parallel_loop3A_98] {strides = array<i32>} : memref<128x128xf32, #tpu.memory_space<vmem>>, vector<16xf32>,
        %parallel_loop3A_100 = arith.mulf %parallel_loop3A_99, %parallel_loop3A_47 : vector<16xf32>
        %parallel_loop3A_101 = arith.index_cast %parallel_loop3A_42 : i32 to index
        %parallel_loop3A_102 = arith.constant 112 : index
        %parallel_loop3A_103 = tpu.vector_load %arg7[%parallel_loop3A_101, %parallel_loop3A_102] {strides = array<i32>} : memref<128x128xf32, #tpu.memory_space<vmem>>, vector<16xf32>,
        tpu.vector_store %arg7[%parallel_loop3A_101, %parallel_loop3A_102], %parallel_loop3A_100 {strides = array<i32>} : memref<128x128xf32, #tpu.memory_space<vmem>>, vector<16xf32>,
      } {sc.loop_unroll_factor = 4 : i64, sc.parallel_access}
      %run_scoped3A = arith.constant 1 : i32
      "tpu.region"() ({
        %run_scoped3A_42 = tpu.sem_alloc : memref<!tpu.dma_semaphore, #tpu.memory_space<semaphore_mem>>
        %dma_start3A_43 = arith.constant 0 : i32
        %dma_start3A_44 = tpu.memref_slice %arg6[%run_scoped3A, %dma_start3A_43] : memref<3x128xi32, #tpu.memory_space<vmem>> -> memref<1x128xi32, #tpu.memory_space<vmem>>
        %dma_start3A_45 = tpu.memref_squeeze %dma_start3A_44 : memref<1x128xi32, #tpu.memory_space<vmem>> -> memref<128xi32, #tpu.memory_space<vmem>>
        %dma_start3A_46 = arith.constant 0 : i32
        %dma_start3A_47 = arith.constant 0 : i32
        %dma_start3A_48 = tpu.memref_slice %arg8[%dma_start3A_46, %dma_start3A_47] : memref<10000x128xf32, #tpu.memory_space<vmem_shared>> -> memref<10000x128xf32, #tpu.memory_space<vmem_shared>>
        tpu.enqueue_indirect_dma source(%arg7 : memref<128x128xf32, #tpu.memory_space<vmem>>) target(%dma_start3A_48 : memref<10000x128xf32, #tpu.memory_space<vmem_shared>>) offsets(%dma_start3A_45 : memref<128xi32, #tpu.memory_space<vmem>>) semaphore(%run_scoped3A_42 : memref<!tpu.dma_semaphore, #tpu.memory_space<semaphore_mem>>) {add = true}
        %dma_wait3A_49 = arith.constant 0 : i32
        %dma_wait3A_50 = tpu.memref_slice %arg6[%run_scoped3A, %dma_wait3A_49] : memref<3x128xi32, #tpu.memory_space<vmem>> -> memref<1x128xi32, #tpu.memory_space<vmem>>
        %dma_wait3A_51 = tpu.memref_squeeze %dma_wait3A_50 : memref<1x128xi32, #tpu.memory_space<vmem>> -> memref<128xi32, #tpu.memory_space<vmem>>
        %dma_wait3A_52 = arith.constant 0 : i32
        %dma_wait3A_53 = arith.constant 0 : i32
        %dma_wait3A_54 = tpu.memref_slice %arg8[%dma_wait3A_52, %dma_wait3A_53] : memref<10000x128xf32, #tpu.memory_space<vmem_shared>> -> memref<10000x128xf32, #tpu.memory_space<vmem_shared>>
        tpu.wait_indirect_dma semaphore(%run_scoped3A_42 : memref<!tpu.dma_semaphore, #tpu.memory_space<semaphore_mem>>) src(%arg7 : memref<128x128xf32, #tpu.memory_space<vmem>>) dst(%dma_wait3A_54 : memref<10000x128xf32, #tpu.memory_space<vmem_shared>>)
        tpu.yield
      }) : () -> ()
    }
    %barrier3A_18 = arith.constant 0 : index
    tpu.barrier barrier_id(%barrier3A_18)
    "tpu.region"() ({
      %run_scoped3A = tpu.sem_alloc : memref<!tpu.dma_semaphore, #tpu.memory_space<semaphore_mem>>
      %dma_start3A = arith.constant 0 : i32
      %dma_start3A_24 = tpu.memref_slice %arg5[%arg0, %mul3A_2, %dma_start3A] : memref<2x10000x128xf32, #tpu.memory_space<hbm>> -> memref<1x624x128xf32, #tpu.memory_space<hbm>>
      %dma_start3A_25 = tpu.memref_squeeze %dma_start3A_24 : memref<1x624x128xf32, #tpu.memory_space<hbm>> -> memref<624x128xf32, #tpu.memory_space<hbm>>
      %dma_start3A_26 = arith.constant 0 : i32
      %dma_start3A_27 = tpu.memref_slice %arg8[%mul3A_2, %dma_start3A_26] : memref<10000x128xf32, #tpu.memory_space<vmem_shared>> -> memref<624x128xf32, #tpu.memory_space<vmem_shared>>
      tpu.enqueue_dma source(%dma_start3A_27 : memref<624x128xf32, #tpu.memory_space<vmem_shared>>) target(%dma_start3A_25 : memref<624x128xf32, #tpu.memory_space<hbm>>) target_semaphore(%run_scoped3A : memref<!tpu.dma_semaphore, #tpu.memory_space<semaphore_mem>>)
      %dma_wait3A = arith.constant 0 : i32
      %dma_wait3A_28 = tpu.memref_slice %arg5[%arg0, %mul3A_2, %dma_wait3A] : memref<2x10000x128xf32, #tpu.memory_space<hbm>> -> memref<1x624x128xf32, #tpu.memory_space<hbm>>
      %dma_wait3A_29 = tpu.memref_squeeze %dma_wait3A_28 : memref<1x624x128xf32, #tpu.memory_space<hbm>> -> memref<624x128xf32, #tpu.memory_space<hbm>>
      %dma_wait3A_30 = arith.constant 0 : i32
      %dma_wait3A_31 = tpu.memref_slice %arg8[%mul3A_2, %dma_wait3A_30] : memref<10000x128xf32, #tpu.memory_space<vmem_shared>> -> memref<624x128xf32, #tpu.memory_space<vmem_shared>>
      tpu.wait_dma2 semaphore(%run_scoped3A : memref<!tpu.dma_semaphore, #tpu.memory_space<semaphore_mem>>) src(%dma_wait3A_31 : memref<624x128xf32, #tpu.memory_space<vmem_shared>>) dst(%dma_wait3A_29 : memref<624x128xf32, #tpu.memory_space<hbm>>)
      tpu.yield
    }) : () -> ()
    %eq3A_19 = arith.constant 15 : i32
    %eq3A_20 = arith.cmpi eq, %arg1, %eq3A_19 : i32
    %convert_element_type3A_21 = arith.extui %eq3A_20 : i1 to i32
    %cond3A_22 = arith.constant 0 : i32
    %cond3A_23 = arith.cmpi ne, %convert_element_type3A_21, %cond3A_22 : i32
    scf.if %cond3A_23 {
      "tpu.region"() ({
        %run_scoped3A = tpu.sem_alloc : memref<!tpu.dma_semaphore, #tpu.memory_space<semaphore_mem>>
        %dma_start3A = arith.constant 9984 : i32
        %dma_start3A_24 = arith.constant 0 : i32
        %dma_start3A_25 = tpu.memref_slice %arg5[%arg0, %dma_start3A, %dma_start3A_24] : memref<2x10000x128xf32, #tpu.memory_space<hbm>> -> memref<1x16x128xf32, #tpu.memory_space<hbm>>
        %dma_start3A_26 = tpu.memref_squeeze %dma_start3A_25 : memref<1x16x128xf32, #tpu.memory_space<hbm>> -> memref<16x128xf32, #tpu.memory_space<hbm>>
        %dma_start3A_27 = arith.constant 9984 : i32
        %dma_start3A_28 = arith.constant 0 : i32
        %dma_start3A_29 = tpu.memref_slice %arg8[%dma_start3A_27, %dma_start3A_28] : memref<10000x128xf32, #tpu.memory_space<vmem_shared>> -> memref<16x128xf32, #tpu.memory_space<vmem_shared>>
        tpu.enqueue_dma source(%dma_start3A_29 : memref<16x128xf32, #tpu.memory_space<vmem_shared>>) target(%dma_start3A_26 : memref<16x128xf32, #tpu.memory_space<hbm>>) target_semaphore(%run_scoped3A : memref<!tpu.dma_semaphore, #tpu.memory_space<semaphore_mem>>)
        %dma_wait3A = arith.constant 9984 : i32
        %dma_wait3A_30 = arith.constant 0 : i32
        %dma_wait3A_31 = tpu.memref_slice %arg5[%arg0, %dma_wait3A, %dma_wait3A_30] : memref<2x10000x128xf32, #tpu.memory_space<hbm>> -> memref<1x16x128xf32, #tpu.memory_space<hbm>>
        %dma_wait3A_32 = tpu.memref_squeeze %dma_wait3A_31 : memref<1x16x128xf32, #tpu.memory_space<hbm>> -> memref<16x128xf32, #tpu.memory_space<hbm>>
        %dma_wait3A_33 = arith.constant 9984 : i32
        %dma_wait3A_34 = arith.constant 0 : i32
        %dma_wait3A_35 = tpu.memref_slice %arg8[%dma_wait3A_33, %dma_wait3A_34] : memref<10000x128xf32, #tpu.memory_space<vmem_shared>> -> memref<16x128xf32, #tpu.memory_space<vmem_shared>>
        tpu.wait_dma2 semaphore(%run_scoped3A : memref<!tpu.dma_semaphore, #tpu.memory_space<semaphore_mem>>) src(%dma_wait3A_35 : memref<16x128xf32, #tpu.memory_space<vmem_shared>>) dst(%dma_wait3A_32 : memref<16x128xf32, #tpu.memory_space<hbm>>)
        tpu.yield
      }) : () -> ()
    } else {
    }
    return
  }
}

module attributes {stable_mosaic.version = 14 : i64} {
  func.func @body(%arg0: i32, %arg1: memref<2000x128xf32, #tpu.memory_space<vmem>>, %arg2: memref<128x128xf32, #tpu.memory_space<vmem>>, %arg3: memref<1x128xf32, #tpu.memory_space<vmem>>, %arg4: memref<2000x128xf32, #tpu.memory_space<vmem>>) attributes {dimension_semantics = [#tpu.dimension_semantics<arbitrary>], iteration_bounds = array<i64: 5>, scalar_prefetch = 0 : i64, scratch_operands = 0 : i64, tpu.core_type = #tpu.core_type<tc>, window_params = [{transform_indices = @transform_0, window_bounds = array<i64: 2000, 128>}, {pipeline_mode = #tpu.pipeline_mode<synchronous>, transform_indices = @transform_1, window_bounds = array<i64: 128, 128>}, {pipeline_mode = #tpu.pipeline_mode<synchronous>, transform_indices = @transform_2, window_bounds = array<i64: 1, 128>}, {transform_indices = @transform_3, window_bounds = array<i64: 2000, 128>}]} {
    %get3A = arith.constant 0 : index
    %get3A_0 = arith.constant 0 : index
    %get3A_1 = vector.load %arg1[%get3A, %get3A_0] : memref<2000x128xf32, #tpu.memory_space<vmem>>, vector<2000x128xf32>
    %get3A_2 = arith.constant 0 : index
    %get3A_3 = arith.constant 0 : index
    %get3A_4 = vector.load %arg2[%get3A_2, %get3A_3] : memref<128x128xf32, #tpu.memory_space<vmem>>, vector<128x128xf32>
    %dot_general3A = arith.constant dense<0.000000e+00> : vector<2000x128xf32>
    %dot_general3A_5 = tpu.matmul %get3A_1, %get3A_4, %dot_general3A {dimension_numbers = #tpu.dot_dimension_numbers<[1], [0], [0], [1], [0, 0, 1, 1], [], []>, transpose_lhs_hint = false} : vector<2000x128xf32>, vector<128x128xf32>, vector<2000x128xf32> -> vector<2000x128xf32>
    %get3A_6 = arith.constant 0 : index
    %get3A_7 = arith.constant 0 : index
    %get3A_8 = vector.load %arg3[%get3A_6, %get3A_7] : memref<1x128xf32, #tpu.memory_space<vmem>>, vector<1x128xf32>
    %add3A = vector.broadcast %get3A_8 : vector<1x128xf32> to vector<2000x128xf32>
    %add3A_9 = arith.addf %dot_general3A_5, %add3A : vector<2000x128xf32>
    %swap3A = arith.constant 0 : index
    %swap3A_10 = arith.constant 0 : index
    %swap3A_11 = vector.load %arg4[%swap3A, %swap3A_10] : memref<2000x128xf32, #tpu.memory_space<vmem>>, vector<2000x128xf32>
    tpu.vector_store %arg4[%swap3A, %swap3A_10], %add3A_9 {strides = array<i32>} : memref<2000x128xf32, #tpu.memory_space<vmem>>, vector<2000x128xf32>,
    return
  }
  func.func @transform_0(%arg0: i32) -> (i32, i32) {
    %c0_i32 = arith.constant 0 : i32
    %c0_i32_0 = arith.constant 0 : i32
    return %arg0, %c0_i32 : i32, i32
  }
  func.func @transform_1(%arg0: i32) -> (i32, i32) {
    %c0_i32 = arith.constant 0 : i32
    %c0_i32_0 = arith.constant 0 : i32
    %c0_i32_1 = arith.constant 0 : i32
    return %c0_i32, %c0_i32_0 : i32, i32
  }
  func.func @transform_2(%arg0: i32) -> (i32, i32) {
    %c0_i32 = arith.constant 0 : i32
    %c0_i32_0 = arith.constant 0 : i32
    %c0_i32_1 = arith.constant 0 : i32
    return %c0_i32, %c0_i32_0 : i32, i32
  }
  func.func @transform_3(%arg0: i32) -> (i32, i32) {
    %c0_i32 = arith.constant 0 : i32
    %c0_i32_0 = arith.constant 0 : i32
    return %arg0, %c0_i32 : i32, i32
  }
}

module attributes {stable_mosaic.version = 14 : i64} {
  func.func @body(%arg0: i32, %arg1: memref<2x2000x128xf32, #tpu.memory_space<vmem>>, %arg2: memref<2000x128xf32, #tpu.memory_space<vmem>>) attributes {dimension_semantics = [#tpu.dimension_semantics<arbitrary>], iteration_bounds = array<i64: 5>, scalar_prefetch = 0 : i64, scratch_operands = 0 : i64, tpu.core_type = #tpu.core_type<tc>, window_params = [{transform_indices = @transform_0, window_bounds = array<i64: 2, 2000, 128>}, {transform_indices = @transform_1, window_bounds = array<i64: 2000, 128>}]} {
    %get3A = arith.constant 0 : index
    %get3A_0 = arith.constant 0 : index
    %get3A_1 = arith.constant 0 : index
    %get3A_2 = vector.load %arg1[%get3A, %get3A_0, %get3A_1] : memref<2x2000x128xf32, #tpu.memory_space<vmem>>, vector<1x2000x128xf32>
    %get3A_3 = vector.shape_cast %get3A_2 : vector<1x2000x128xf32> to vector<2000x128xf32>
    %get3A_4 = arith.constant 1 : index
    %get3A_5 = arith.constant 0 : index
    %get3A_6 = arith.constant 0 : index
    %get3A_7 = vector.load %arg1[%get3A_4, %get3A_5, %get3A_6] : memref<2x2000x128xf32, #tpu.memory_space<vmem>>, vector<1x2000x128xf32>
    %get3A_8 = vector.shape_cast %get3A_7 : vector<1x2000x128xf32> to vector<2000x128xf32>
    %add3A = arith.addf %get3A_3, %get3A_8 : vector<2000x128xf32>
    %swap3A = arith.constant 0 : index
    %swap3A_9 = arith.constant 0 : index
    %swap3A_10 = vector.load %arg2[%swap3A, %swap3A_9] : memref<2000x128xf32, #tpu.memory_space<vmem>>, vector<2000x128xf32>
    tpu.vector_store %arg2[%swap3A, %swap3A_9], %add3A {strides = array<i32>} : memref<2000x128xf32, #tpu.memory_space<vmem>>, vector<2000x128xf32>,
    return
  }
  func.func @transform_0(%arg0: i32) -> (i32, i32, i32) {
    %c0_i32 = arith.constant 0 : i32
    %c0_i32_0 = arith.constant 0 : i32
    %c0_i32_1 = arith.constant 0 : i32
    return %c0_i32, %arg0, %c0_i32_0 : i32, i32, i32
  }
  func.func @transform_1(%arg0: i32) -> (i32, i32) {
    %c0_i32 = arith.constant 0 : i32
    %c0_i32_0 = arith.constant 0 : i32
    return %arg0, %c0_i32 : i32, i32
  }
}

</mosaic_0001>

<sc_bundles>
// kernel: kernel.5.cloned.1.call-start
scs
__scs_entry_jumppad:
0x0: {  	(pc) =	sbr.rel $0x88, $3  }
0x1: {  	(tag) =	ssettag $0x0;
	lr =	simm.s32 $0x1  }
0x2: {  	[smem:$0x3F9C] =	sst lr;
	_ =	strace $0xD0000000  }
0x3: {  	_ = 	snop  }
0x4: {  	_ = 	snop  }
0x5: {  	_ = 	snop  }
0x6: {  	_ = 	snop  }
0x7: {  	_ = 	snop  }
__scs_overlays_trampoline_lowered:
0x8: {  	[smem:$0x3FAB] =	sst s0  }
0x9: {  	[smem:$0x3FAC] =	sst s1  }
0xa: {  	[smem:$0x3FAD] =	sst s2  }
0xb: {  	[smem:$0x3FAE] =	sst s3  }
0xc: {  	[smem:$0x3FAF] =	sst s4  }
0xd: {  	[smem:$0x3FB0] =	sst s5  }
0xe: {  	[smem:$0x3FB1] =	sst s6  }
0xf: {  	[smem:$0x3FB2] =	sst s7  }
0x10: {  	[smem:$0x3FB3] =	sst s8  }
0x11: {  	[smem:$0x3FB4] =	sst s9;
	s0 =	simm.s32 @!p0 $0x0  }
0x12: {  	s1 =	sld [smem:$0x3F9A];
	s0 =	simm.s32 @p0 $0x1  }
0x13: {  	[smem:$0x3FB5] =	sst s0;
	s0 =	simm.s32 @!p1 $0x0  }
0x14: {  	s2 =	sld [smem:$0x3F99];
	s0 =	simm.s32 @p1 $0x1  }
0x15: {  	[smem:$0x3FB6] =	sst s0;
	s0 =	simm.s32 @!p2 $0x0  }
0x16: {  	s3 =	sld [smem:$0x3FDB];
	s0 =	simm.s32 @p2 $0x1  }
0x17: {  	s4 =	simm.s32 $0x1BF5;
	[smem:$0x3FB8] =	sst s0  }
0x18: {  	s0 =	sld [smem:$0x3F9B];
	_ =	swait.ge [sflag:s4], $0x0  }
0x19: {  	s7 =	sld [smem:$0x3F9C]  }
0x1a: {  	s8 =	sadd.s32 $0xFFFFE003, lr  }
0x1b: {  	s9 =	sadd.s32 $0xFFFFFEF7, lr;
	s5 =	simm.s32 $0xFFFFFFFF;
	p2 =	slt.u32 s8, $0xFFFFF086  }
0x1c: {  	p1 =	slt.u32 s9, $0xF7A;
	s5 =	simm.s32 @!p2 $0x0  }
0x1d: {  	s5 =	simm.s32 @p1 $0x1;
	p0 =	seq.s32 s7, s2  }
0x1e: {  	s7 =	smul.u32 @!p0 $0xF7A, s2;
	p2 =	seq.s32 @!p0 s5, $0x0  }
0x1f: {  	s9 =	smul.u32 $0xF7A, s1;
	s8 =	simm.s32 @!p0 $0x1BF5;
	p2 =	por !p2, p0  }
0x20: {  	[sflag:s8] =	ssyncset.s32 @!p0 $0xFFFFF086;
	s6 =	sadd.s32 @!p0 s3, s7;
	s7 =	simm.s32 @!p0 $0x108  }
0x21: {  	s3 =	sadd.s32 s3, s9;
	s6 =	sadd.s32 @!p0 $0x88, s6;
	s7 =	simm.s32 @p2 $0x1082  }
0x22: {  	[simem:s7], [sflag:s8] =	dma.local @!p0 [hbm:s6], $0xF7A  }
0x23: {  	s9 =	sor.u32 $0xD0000000, s2;
	s6 =	simm.s32 $0x108;
	_ =	swait.ge @!p0 [sflag:s8], $0x0  }
0x24: {  	s3 =	sadd.s32 $0x88, s3;
	s6 =	simm.s32 @!p1 $0x1082;
	[sflag:s4] =	ssyncset.s32 $0xFFFFF086  }
0x25: {  	[simem:s6], [sflag:s4] =	dma.local [hbm:s3], $0xF7A  }
0x26: {  	[smem:$0x3F9C] =	sst s1;
	(tag) =	ssettag s2;
	_ =	strace s9  }
0x27: {  	s1 =	sld [smem:$0x3FAC]  }
0x28: {  	s2 =	sld [smem:$0x3FAD]  }
0x29: {  	s4 =	sld [smem:$0x3FAF]  }
0x2a: {  	p0 =	seq.s32 s5, $0x0;
	s5 =	sld [smem:$0x3FB0]  }
0x2b: {  	s6 =	sld [smem:$0x3FB1]  }
0x2c: {  	s7 =	sld [smem:$0x3FB2]  }
0x2d: {  	s3 =	simm.s32 $0x108;
	s8 =	sld [smem:$0x3FB3]  }
0x2e: {  	s3 =	simm.s32 @!p0 $0x1082;
	s9 =	sld [smem:$0x3FB4]  }
0x2f: {  	lr =	sadd.s32 s0, s3;
	s0 =	sld [smem:$0x3FAB]  }
0x30: {  	s3 =	sld [smem:$0x3FAE]  }
0x31: {  	[smem:$0x3FB7] =	sst s10  }
0x32: {  	s10 =	sld [smem:$0x3FB5];
	_ =	sdelay $0x3  }
0x33: {  	p0 =	seq.s32 s10, $0x1;
	s10 =	sld [smem:$0x3FB7];
	_ =	sdelay $0x3  }
0x34: {  	[smem:$0x3FB7] =	sst s10  }
0x35: {  	s10 =	sld [smem:$0x3FB6];
	_ =	sdelay $0x3  }
0x36: {  	p1 =	seq.s32 s10, $0x1;
	s10 =	sld [smem:$0x3FB7];
	_ =	sdelay $0x3  }
0x37: {  	[smem:$0x3FB7] =	sst s10  }
0x38: {  	s10 =	sld [smem:$0x3FB8]  }
0x39: {  	_ = 	snop;
	(pc) =	sbr.ind lr, $3  }
0x3a: {  	_ = 	snop  }
0x3b: {  	_ = 	snop  }
0x3c: {  	p2 =	seq.s32 s10, $0x1;
	s10 =	sld [smem:$0x3FB7]  }
0x3d: {  	_ =	shalt  }
0x3e: {  	_ =	shalt  }
0x3f: {  	_ =	shalt  }
0x40: {  	_ =	shalt  }
0x41: {  	_ =	shalt  }
0x42: {  	_ =	shalt  }
0x43: {  	_ =	shalt  }
0x44: {  	_ =	shalt  }
0x45: {  	_ =	shalt  }
0x46: {  	_ =	shalt  }
0x47: {  	_ =	shalt  }
0x48: {  	_ =	shalt  }
0x49: {  	_ =	shalt  }
0x4a: {  	_ =	shalt  }
0x4b: {  	_ =	shalt  }
0x4c: {  	_ =	shalt  }
0x4d: {  	_ =	shalt  }
0x4e: {  	_ =	shalt  }
0x4f: {  	_ =	shalt  }
0x50: {  	_ =	shalt  }
0x51: {  	_ =	shalt  }
0x52: {  	_ =	shalt  }
0x53: {  	_ =	shalt  }
0x54: {  	_ =	shalt  }
0x55: {  	_ =	shalt  }
0x56: {  	_ =	shalt  }
0x57: {  	_ =	shalt  }
0x58: {  	_ =	shalt  }
0x59: {  	_ =	shalt  }
0x5a: {  	_ =	shalt  }
0x5b: {  	_ =	shalt  }
0x5c: {  	_ =	shalt  }
0x5d: {  	_ =	shalt  }
0x5e: {  	_ =	shalt  }
0x5f: {  	_ =	shalt  }
0x60: {  	_ =	shalt  }
0x61: {  	_ =	shalt  }
0x62: {  	_ =	shalt  }
0x63: {  	_ =	shalt  }
0x64: {  	_ =	shalt  }
0x65: {  	_ =	shalt  }
0x66: {  	_ =	shalt  }
0x67: {  	_ =	shalt  }
0x68: {  	_ =	shalt  }
0x69: {  	_ =	shalt  }
0x6a: {  	_ =	shalt  }
0x6b: {  	_ =	shalt  }
0x6c: {  	_ =	shalt  }
0x6d: {  	_ =	shalt  }
0x6e: {  	_ =	shalt  }
0x6f: {  	_ =	shalt  }
0x70: {  	_ =	shalt  }
0x71: {  	_ =	shalt  }
0x72: {  	_ =	shalt  }
0x73: {  	_ =	shalt  }
0x74: {  	_ =	shalt  }
0x75: {  	_ =	shalt  }
0x76: {  	_ =	shalt  }
0x77: {  	_ =	shalt  }
0x78: {  	_ =	shalt  }
0x79: {  	_ =	shalt  }
0x7a: {  	_ =	shalt  }
0x7b: {  	_ =	shalt  }
0x7c: {  	_ =	shalt  }
0x7d: {  	_ =	shalt  }
0x7e: {  	_ =	shalt  }
0x7f: {  	_ =	shalt  }
0x80: {  	_ =	shalt  }
0x81: {  	_ =	shalt  }
0x82: {  	_ =	shalt  }
0x83: {  	_ =	shalt  }
0x84: {  	_ =	shalt  }
0x85: {  	_ =	shalt  }
0x86: {  	_ =	shalt  }
0x87: {  	_ =	shalt  }
.Lfunc_end0:
.L_simem_size_0:
called_computation_lowered:
.L_overlay_start_0:
0x88: {  	s2 =	sld [smem:$0x3FD9]  }
0x89: {  	s3 =	sld [smem:$0x3FFE];
	_ =	sdelay $0x1  }
0x8a: {  	s1 =	srdreg.scid  }
0x8b: {  	s0 =	sand.u32 $0x1, s1  }
0x8c: {  	s17 =	sshll.u32 s0, $0xA;
	s2 =	sadd.s32 s3, s2  }
0x8d: {  	s2 =	sadd.s32 s2, s17  }
0x8e: {  	[smem:$0x3FC3] =	sst s2  }
0x8f: {  	_ = 	snop  }
0x90: {  	s2 =	sld [smem:$0x3FD0];
	(tm) =	ssettm $0x1  }
0x91: {  	s18 =	sld [smem:$0x3FFB];
	_ =	sdelay $0x3  }
0x92: {  	_ =	strace s18  }
0x93: {  	s3 =	sld [smem:$0x3FFC];
	_ =	sdelay $0x3  }
0x94: {  	_ =	strace s3  }
0x95: {  	s3 =	sld [smem:$0x3FFD];
	_ =	sdelay $0x3  }
0x96: {  	_ =	strace s3  }
0x97: {  	_ =	strace $0x8FFFFFFF  }
0x98: {  	s19 =	sld [smem:$0x3FDB];
	_ =	sdelay $0x1  }
0x99: {  	s4 =	simm.s32 $_scs_section_size  }
0x9a: {  	s5 =	simm.s32 $_size__tile_overlayer_lowered;
	s6 =	simm.s32 $_tile_overlayer_lowered  }
0x9b: {  	s22 =	simm.s32 $0x1BFF;
	s21 =	sshll.u32 s6, $0x1;
	s3 =	sadd.s32 s4, s19  }
0x9c: {  	s7 =	simm.s32 $0x0;
	s20 =	sshll.u32 s5, $0x1;
	s5 =	sadd.s32 s21, s3  }
0x9d: {  	[timem:s7], [sflag:s22] =	dma.local [hbm:s5], s20  }
0x9e: {  	_ =	swait.ge [sflag:s22], s20  }
0x9f: {  	s4 =	ssub.s32 $0x0, s20;
	[sflag:s22] =	ssyncset.done $0x0  }
0xa0: {  	[sflag:s22] =	ssyncadd.s32 s4;
	_ =	sdelay $0x1  }
0xa1: {  	s23 =	simm.s32 $0x1B8B  }
0xa2: {  	_ =	swait.ge [sflag:s23], $0x1  }
0xa3: {  	[sflag:s23] =	ssyncset.done $0x0  }
0xa4: {  	s25 =	simm.s32 $0x1B8E;
	s24 =	sld [smem:$0x3FFE];
	[sflag:s23] =	ssyncadd.s32 $0xFFFFFFFF  }
0xa5: {  	s26 =	simm.s32 $execute0_lowered;
	[smem:$0x3FD2] =	sst s25  }
0xa6: {  	s5 =	sshll.u32 s26, $0x1;
	_ =	strace $0x80000046;
	[dreg:$0x1] =	wrdreg $0xFFFFFFFF  }
0xa7: {  	s28 =	simm.s32 $_size_execute0_lowered;
	s3 =	sadd.s32 s3, s5;
	[dreg:$0x0] =	wrdreg $0x0  }
0xa8: {  	s5 =	sshll.u32 s28, $0x1;
	[dreg:$0x2] =	wrdreg s3  }
0xa9: {  	[dreg:$0x3] =	wrdreg s5  }
0xaa: {  	[dreg:$0x4] =	wrdreg $0xC0  }
0xab: {  	_ =	task [dreg:s7], $0x5FFFF  }
0xac: {  	[dreg:$0x1] =	wrdreg $0xFFFFFFFF  }
0xad: {  	[dreg:$0x0] =	wrdreg $0x60  }
0xae: {  	[dreg:$0x2] =	wrdreg s2  }
0xaf: {  	[dreg:$0x3] =	wrdreg s24  }
0xb0: {  	[dreg:$0x4] =	wrdreg $0x42000  }
0xb1: {  	[dreg:$0x5] =	wrdreg $0x9  }
0xb2: {  	_ =	task.clear_ibuf [dreg:s7], $0x6FFFF;
	_ =	strace $0x90000046  }
0xb3: {  	s29 =	simm.s32 $0x9;
	_ =	strace $0x80000048  }
0xb4: {  	_ =	swait.ge [sflag:s29], $0x1  }
0xb5: {  	[sflag:s29] =	ssyncadd.s32 $0xFFFFFFFF  }
0xb6: {  	_ =	strace $0x90000048  }
0xb7: {  	_ =	sfence  }
0xb8: {  	s30 =	sld [smem:$0x0];
	_ =	sdelay $0x2  }
0xb9: {  	s31 =	sshll.u32 s1, $0xD;
	s1 =	sshrl.u32 s1, $0x2  }
0xba: {  	s3 =	sand.u32 $0x4000, s31;
	s1 =	sadd.s32 s1, s30  }
0xbb: {  	s0 =	sor.u32 s3, s0;
	s1 =	sshll.u32 s1, $0x11  }
0xbc: {  	s0 =	sor.u32 s1, s0  }
0xbd: {  	s0 =	sadd.s32 $0x8F2B, s0  }
0xbe: {  	[sflag:s0] =	ssyncadd.remote.s32 $0x1  }
0xbf: {  	_ =	sfence.sel $0xFFFF  }
0xc0: {  	[dreg:$0x0] =	wrdreg $0xFFFFFFFF;
	(pc) =	sbr.abs _section_cstart, $3  }
0xc1: {  	[dreg:$0x1] =	wrdreg $0xFFFFFFFF  }
0xc2: {  	_ =	task.clear_ibuf [dreg:s7], $0x2FFFF;
	_ =	strace $0x9FFFFFFF  }
0xc3: {  	(tm) =	ssettm $0x7FFFFFFF  }
tec
execute0_lowered:
.L_overlay_start_1:
0x0: {  	(tag) =	ssettag $0x1  }
0x1: {  	s1 =	rddreg [dreg:$0x0]  }
0x2: {  	s8 =	rddreg [dreg:$0x1]  }
0x3: {  	s3 =	rddreg [dreg:$0x2]  }
0x4: {  	s0 =	rddreg [dreg:$0x3];
	s4 =	simm.s32 $0x0;
	s2 =	stileid.u32  }
0x5: {  	s6 =	srdreg.scid;
	s19 =	simm.s32 $0x1;
	s20 =	simm.s32 $0x0  }
0x6: {  	[smem:$0x7FF] =	sst s4;
	s10 =	smul.u32 $0x13800, s2;
	s5 =	sadd.s32 $0x1600, s8  }
0x7: {  	s9 =	sand.u32 $0x1, s6;
	s11 =	smul.u32 $0x4E000, s2;
	s12 =	sadd.s32 $0x4FA00, s8  }
0x8: {  	s30 =	sshll.u32 s2, $0x6;
	s16 =	sadd.s32 $0x138000, s3;
	_ =	strace $0x80000047  }
0x9: {  	s7 =	ssub.s32 $0x2, s9;
	s29 =	sshll.u32 s9, $0x4;
	s31 =	smul.u32 $0x138800, s9  }
0xa: {  	s9 =	simm.s32 $0x4F;
	s28 =	sshrl.u32 s10, $0x3;
	s13 =	sshrl.u32 s7, $0x1  }
0xb: {  	s11 =	sshrl.u32 s11, $0x2;
	s14 =	sor.u32 s2, s29;
	s6 =	sadd.s32 s28, s8  }
0xc: {  	s13 =	ssub.s32 s7, s13;
	s15 =	sadd.s32 s11, s3;
	s7 =	sor.u32 $0x1C02, s30  }
0xd: {  	s8 =	sadd.s32 $0x4F800, s8;
	p0 =	slt.u32 s14, $0x4;
	s10 =	sadd.s32 s10, s31  }
0xe: {  	s11 =	sshrl.u32 s31, $0x3;
	s6 =	sadd.s32 $0x28800, s6;
	s9 =	simm.s32 @!p0 $0x4E  }
0xf: {  	s17 =	sshrl.u32 s10, $0x3;
	s18 =	sadd.s32 s12, s11;
	s10 =	sshll.u32 s14, $0x9  }
0x10: {  	s13 =	smax.u32 s13, $0x1;
	p0 =	sne.s32 s2, $0xF;
	s14 =	sshrl.u32 s15, $0x3  }
0x11: {  	s15 =	simm.s32 $0x2;
	s11 =	sadd.s32 s12, s17;
	s12 =	sadd.s32 $0x27000, s18  }
0x12: {  	s16 =	sshrl.u32 @!p0 s16, $0x3;
	s17 =	simm.s32 $0x80;
	s18 =	simm.s32 $0x200  }
.LBB2_1:
0x13: {  	[spmem:s14], [sflag:s7] =	dma.local [hbm:s6], $0x2700  }
0x14: {  	_ =	swait.ge [sflag:s15], $0x2700  }
0x15: {  	[sflag:s15] =	ssyncset.done $0x0  }
0x16: {  	s21 =	simm.s32 @!p0 $0x2;
	[sflag:s15] =	ssyncadd.s32 $0xFFFFD900  }
0x17: {  	[spmem:s16], [sflag:s7] =	dma.local @!p0 [hbm:s8], $0x100  }
0x18: {  	_ =	swait.ge @!p0 [sflag:s21], $0x100  }
0x19: {  	[sflag:s21] =	ssyncset.done @!p0 $0x0  }
0x1a: {  	[sflag:s21] =	ssyncadd.s32 @!p0 $0xFFFFFF00  }
0x1b: {  	s21 =	simm.s32 $0x0;
	[bflag:$0x0] =	sbarrier.arrive $0xFFFF  }
.LBB2_2:
0x1c: {  	s22 =	sshll.u32 s21, $0xE  }
0x1d: {  	s22 =	sor.u32 s10, s22  }
0x1e: {  	s23 =	simm.s32 $0x0;
	s22 =	sshrl.u32 s22, $0x3  }
0x1f: {  	s24 =	simm.s32 $0x3;
	v0 =	vmov s23;
	s22 =	sadd.s32 s5, s22  }
0x20: {  	v1 =	vmov s24;
	v0 =	vand.u32 $0x7C, v0;
	[tilespmem:s23], [sflag:$0x2] =	stream.linear.gather [hbm4b:s22+s23], $0x180, $0x38;
	[tilespmem:$0x17A80] =	vst v63  }
0x21: {  	v1 =	vand.u32 $0x7F, v1;
	v0 =	vor.u32 $0x100, v0;
	_ =	swait.ge [sflag:s15], $0x180  }
0x22: {  	v1 =	vor.u32 $0x100, v1;
	v0 =	vbroadcast v0, $0x0;
	[sflag:s15] =	ssyncset.done $0x0  }
0x23: {  	v1 =	vbroadcast v1, $0x0;
	[sflag:s15] =	ssyncadd.s32 $0xFFFFFE80  }
0x24: {  	[tilespmem:s18], [sflag:$0x1] =	stream.indirect.gather [hbm4b:s1+s17], $0x80, s23, s17, $0xb8;
	[tilespmem:$0x17A80] =	vst v63  }
0x25: {  	_ =	swait.ge [sflag:s19], $0x4000  }
0x26: {  	[sflag:s19] =	ssyncset.done $0x0  }
0x27: {  	[sflag:s19] =	ssyncadd.s32 $0xFFFFC000  }
0x28: {  	s26 =	simm.s32 $0x1;
	v2 =	vld.idx.msk [tilespmem:v0+s4+$0x0], $0xffff  }
0x29: {  	v3 =	vmov s26;
	s22 =	simm.s32 $0x300;
	v0 =	vld.idx.msk [tilespmem:v1+s4+$0x0], $0xffff  }
0x2a: {  	v1 =	vand.u32 $0x7D, v3;
	v3 =	vld [tilespmem:s22+$0xF0]  }
0x2b: {  	v4 =	vld [tilespmem:s22+$0xFFFFFF00]  }
0x2c: {  	v5 =	vld [tilespmem:s22+$0xFFFFFF10];
	v1 =	vor.u32 $0x100, v1  }
0x2d: {  	v6 =	vld [tilespmem:s22+$0xFFFFFF20];
	v1 =	vbroadcast v1, $0x0  }
0x2e: {  	v7 =	vld [tilespmem:s22+$0xFFFFFF30]  }
0x2f: {  	v8 =	vld [tilespmem:s22+$0xFFFFFF40]  }
0x30: {  	v9 =	vld [tilespmem:s22+$0xFFFFFF50];
	v4 =	vmul.f32 v2, v4  }
0x31: {  	v10 =	vld [tilespmem:s22+$0xFFFFFF60]  }
0x32: {  	s28 =	simm.s32 $0x2;
	v3 =	vmul.f32 v0, v3;
	[tilespmem:s22+$0xFFFFFF00] =	vst v4;
	v4 =	vld [tilespmem:s22+$0xFFFFFF70]  }
0x33: {  	v11 =	vmov s28;
	v5 =	vmul.f32 v2, v5;
	v12 =	vld.idx.msk [tilespmem:v1+s4+$0x0], $0xffff  }
0x34: {  	[tilespmem:s22+$0xF0] =	vst v3;
	v3 =	vmul.f32 v2, v6;
	v1 =	vand.u32 $0x7E, v11;
	v11 =	vld [tilespmem:s22+$0xFFFFFF80]  }
0x35: {  	v6 =	vld [tilespmem:s22+$0xFFFFFF90];
	[tilespmem:s22+$0xFFFFFF10] =	vst v5;
	v5 =	vmul.f32 v2, v7;
	v1 =	vor.u32 $0x100, v1  }
0x36: {  	v7 =	vld [tilespmem:s22+$0xFFFFFFA0];
	[tilespmem:s22+$0xFFFFFF20] =	vst v3;
	v3 =	vmul.f32 v2, v8;
	v1 =	vbroadcast v1, $0x0  }
0x37: {  	v8 =	vld [tilespmem:s22+$0xFFFFFFB0];
	[tilespmem:s22+$0xFFFFFF30] =	vst v5;
	v5 =	vmul.f32 v2, v9  }
0x38: {  	v10 =	vmul.f32 v2, v10;
	v9 =	vld [tilespmem:s22+$0xFFFFFFC0];
	[tilespmem:s22+$0xFFFFFF40] =	vst v3;
	v2 =	vmul.f32 v2, v4  }
0x39: {  	[tilespmem:s22+$0xFFFFFF50] =	vst v5;
	v5 =	vld [tilespmem:s22+$0xFFFFFFE0];
	v3 =	vmul.f32 v12, v11  }
0x3a: {  	v11 =	vld [tilespmem:s22+$0xFFFFFFD0];
	[tilespmem:s22+$0xFFFFFF70] =	vst v2  }
0x3b: {  	v2 =	vmul.f32 v12, v7;
	[tilespmem:s22+$0xFFFFFF80] =	vst v3;
	v3 =	vmul.f32 v12, v6;
	v6 =	vld [tilespmem:s22+$0x0]  }
0x3c: {  	[tilespmem:s22+$0xFFFFFF60] =	vst v10;
	v1 =	vld.idx.msk [tilespmem:v1+s4+$0x0], $0xffff  }
0x3d: {  	v4 =	vld [tilespmem:s22+$0xFFFFFFF0];
	[tilespmem:s22+$0xFFFFFFA0] =	vst v2;
	v2 =	vmul.f32 v12, v9  }
0x3e: {  	v7 =	vld [tilespmem:s22+$0x10];
	[tilespmem:s22+$0xFFFFFF90] =	vst v3;
	v3 =	vmul.f32 v12, v8  }
0x3f: {  	v5 =	vmul.f32 v12, v5;
	v8 =	vld [tilespmem:s22+$0x20];
	[tilespmem:s22+$0xFFFFFFC0] =	vst v2  }
0x40: {  	s29 =	simm.s32 $0x4;
	v9 =	vld [tilespmem:s22+$0x30];
	[tilespmem:s22+$0xFFFFFFB0] =	vst v3;
	v3 =	vmul.f32 v12, v11  }
0x41: {  	s30 =	simm.s32 $0x5;
	v10 =	vmov s29;
	v2 =	vld [tilespmem:s22+$0x40];
	[tilespmem:s22+$0xFFFFFFE0] =	vst v5;
	v6 =	vmul.f32 v1, v6  }
0x42: {  	s31 =	simm.s32 $0x6;
	v63 =	vmov s30;
	v10 =	vand.u32 $0x7C, v10;
	v11 =	vmul.f32 v12, v4;
	[tilespmem:s22+$0xFFFFFFD0] =	vst v3;
	v3 =	vld [tilespmem:s22+$0x50]  }
0x43: {  	v5 =	vor.u32 $0x100, v10;
	v4 =	vld [tilespmem:s22+$0x60];
	v7 =	vmul.f32 v1, v7;
	[tilespmem:s22+$0x0] =	vst v6;
	v6 =	vmov s31  }
0x44: {  	[tilespmem:s22+$0xFFFFFFF0] =	vst v11;
	v11 =	vand.u32 $0x7D, v63;
	v8 =	vmul.f32 v1, v8;
	v10 =	vand.u32 $0x7E, v6;
	v6 =	vld [tilespmem:s22+$0x70]  }
0x45: {  	s25 =	simm.s32 $0x7;
	s24 =	simm.s32 $0x8;
	s23 =	simm.s32 $0x300;
	v5 =	vbroadcast v5, $0x0;
	v9 =	vmul.f32 v1, v9;
	v11 =	vor.u32 $0x100, v11;
	[tilespmem:s22+$0x10] =	vst v7;
	v7 =	vld [tilespmem:s22+$0x80]  }
.LBB2_3:
0x46: {  	p1 =	slt.u32 s24, $0x7C;
	v10 =	vor.u32 $0x100, v10;
	v12 =	vmov s25;
	[tilespmem:s22+$0x20] =	vst v8;
	v2 =	vmul.f32 v1, v2;
	v8 =	vld [tilespmem:s22+$0x90]  }
0x47: {  	v11 =	vbroadcast v11, $0x0;
	v12 =	vand.u32 $0x7F, v12;
	[tilespmem:s22+$0x30] =	vst v9;
	v3 =	vmul.f32 v1, v3;
	v9 =	vld [tilespmem:s22+$0xA0]  }
0x48: {  	v10 =	vbroadcast v10, $0x0;
	v12 =	vor.u32 $0x100, v12;
	[tilespmem:s22+$0x40] =	vst v2;
	v2 =	vmul.f32 v1, v4;
	v4 =	vld [tilespmem:s22+$0xB0]  }
0x49: {  	v12 =	vbroadcast v12, $0x0;
	[tilespmem:s22+$0x50] =	vst v3;
	v1 =	vmul.f32 v1, v6;
	v3 =	vld [tilespmem:s22+$0xC0]  }
0x4a: {  	[tilespmem:s22+$0x60] =	vst v2;
	v2 =	vmul.f32 v0, v7;
	v6 =	vld [tilespmem:s22+$0xD0]  }
0x4b: {  	[tilespmem:s22+$0x70] =	vst v1;
	v1 =	vmul.f32 v0, v8;
	v7 =	vld [tilespmem:s22+$0xE0]  }
0x4c: {  	v5 =	vld.idx.msk [tilespmem:v5+s4+$0x0], $0xffff;
	[tilespmem:s22+$0x80] =	vst v2;
	v2 =	vmul.f32 v0, v9  }
0x4d: {  	v8 =	vld.idx.msk [tilespmem:v11+s4+$0x0], $0xffff;
	[tilespmem:s22+$0x90] =	vst v1;
	v4 =	vmul.f32 v0, v4  }
0x4e: {  	v1 =	vld.idx.msk [tilespmem:v10+s4+$0x0], $0xffff;
	[tilespmem:s22+$0xA0] =	vst v2;
	v2 =	vmul.f32 v0, v3  }
0x4f: {  	s22 =	sadd.s32 $0x200, s22;
	v3 =	vld.idx.msk [tilespmem:v12+s4+$0x0], $0xffff;
	[tilespmem:s23+$0xB0] =	vst v4;
	v4 =	vmul.f32 v0, v6  }
0x50: {  	v6 =	vld [tilespmem:s22+$0xF0];
	[tilespmem:s23+$0xC0] =	vst v2;
	v0 =	vmul.f32 v0, v7  }
0x51: {  	v2 =	vld [tilespmem:s22+$0xFFFFFF00];
	[tilespmem:s23+$0xD0] =	vst v4  }
0x52: {  	v4 =	vld [tilespmem:s22+$0xFFFFFF10];
	[tilespmem:s23+$0xE0] =	vst v0;
	s23 =	smov.u32 s22  }
0x53: {  	v7 =	vld [tilespmem:s22+$0xFFFFFF20]  }
0x54: {  	v9 =	vld [tilespmem:s22+$0xFFFFFF30]  }
0x55: {  	v0 =	vmov v3;
	v10 =	vld [tilespmem:s22+$0xFFFFFF40];
	v6 =	vmul.f32 v3, v6  }
0x56: {  	v2 =	vmul.f32 v5, v2;
	v3 =	vld [tilespmem:s22+$0xFFFFFF50]  }
0x57: {  	v4 =	vmul.f32 v5, v4;
	v11 =	vld [tilespmem:s22+$0xFFFFFF60];
	[tilespmem:s22+$0xF0] =	vst v6  }
0x58: {  	[tilespmem:s22+$0xFFFFFF00] =	vst v2;
	v2 =	vmul.f32 v5, v7;
	v6 =	vld [tilespmem:s22+$0xFFFFFF70]  }
0x59: {  	[tilespmem:s22+$0xFFFFFF10] =	vst v4;
	v4 =	vmul.f32 v5, v9;
	v7 =	vld [tilespmem:s22+$0xFFFFFF80]  }
0x5a: {  	[tilespmem:s22+$0xFFFFFF20] =	vst v2;
	v2 =	vmul.f32 v5, v10;
	v9 =	vld [tilespmem:s22+$0xFFFFFF90]  }
0x5b: {  	[tilespmem:s22+$0xFFFFFF30] =	vst v4;
	v3 =	vmul.f32 v5, v3;
	v4 =	vld [tilespmem:s22+$0xFFFFFFA0]  }
0x5c: {  	[tilespmem:s22+$0xFFFFFF40] =	vst v2;
	v2 =	vmul.f32 v5, v11;
	v10 =	vld [tilespmem:s22+$0xFFFFFFB0]  }
0x5d: {  	[tilespmem:s22+$0xFFFFFF50] =	vst v3;
	v3 =	vmul.f32 v5, v6;
	v5 =	vld [tilespmem:s22+$0xFFFFFFC0]  }
0x5e: {  	[tilespmem:s22+$0xFFFFFF60] =	vst v2;
	v2 =	vmul.f32 v8, v7;
	v6 =	vld [tilespmem:s22+$0xFFFFFFD0]  }
0x5f: {  	[tilespmem:s22+$0xFFFFFF70] =	vst v3;
	v3 =	vmul.f32 v8, v9;
	v7 =	vld [tilespmem:s22+$0xFFFFFFE0]  }
0x60: {  	[tilespmem:s22+$0xFFFFFF80] =	vst v2;
	v2 =	vmul.f32 v8, v4;
	v4 =	vld [tilespmem:s22+$0xFFFFFFF0]  }
0x61: {  	[tilespmem:s22+$0xFFFFFF90] =	vst v3;
	v3 =	vmul.f32 v8, v10;
	v9 =	vld [tilespmem:s22+$0x0]  }
0x62: {  	[tilespmem:s22+$0xFFFFFFA0] =	vst v2;
	v2 =	vmul.f32 v8, v5;
	v5 =	vld [tilespmem:s22+$0x10]  }
0x63: {  	[tilespmem:s22+$0xFFFFFFB0] =	vst v3;
	v3 =	vmul.f32 v8, v6;
	v6 =	vld [tilespmem:s22+$0x20]  }
0x64: {  	[tilespmem:s22+$0xFFFFFFC0] =	vst v2;
	v7 =	vmul.f32 v8, v7;
	v12 =	vld [tilespmem:s22+$0x30]  }
.Ltmp0:
0x65: {  	s25 =	sadd.s32 $0x1, s24;
	v10 =	vmov s24;
	[tilespmem:s22+$0xFFFFFFD0] =	vst v3;
	v4 =	vmul.f32 v8, v4;
	v2 =	vld [tilespmem:s22+$0x40];
	(pc) =	sbr.rel @p1 .LBB2_3-.Ltmp0, $4  }
0x66: {  	v8 =	vand.u32 $0x7C, v10;
	v10 =	vmov s25;
	s25 =	sadd.s32 $0x2, s24;
	[tilespmem:s22+$0xFFFFFFE0] =	vst v7;
	v7 =	vmul.f32 v1, v9;
	v3 =	vld [tilespmem:s22+$0x50]  }
0x67: {  	v9 =	vor.u32 $0x100, v8;
	v8 =	vmov s25;
	[tilespmem:s22+$0xFFFFFFF0] =	vst v4;
	v13 =	vmul.f32 v1, v5;
	v4 =	vld [tilespmem:s22+$0x60]  }
0x68: {  	v11 =	vand.u32 $0x7D, v10;
	v10 =	vand.u32 $0x7E, v8;
	[tilespmem:s22+$0x0] =	vst v7;
	v8 =	vmul.f32 v1, v6;
	v6 =	vld [tilespmem:s22+$0x70]  }
0x69: {  	s25 =	sadd.s32 $0x3, s24;
	s24 =	sadd.s32 $0x4, s24;
	v5 =	vbroadcast v9, $0x0;
	v11 =	vor.u32 $0x100, v11;
	[tilespmem:s22+$0x10] =	vst v13;
	v9 =	vmul.f32 v1, v12;
	v7 =	vld [tilespmem:s22+$0x80]  }
0x6a: {  	v13 =	vld [tilespmem:s22+$0x90]  }
0x6b: {  	v14 =	vld [tilespmem:s22+$0xA0]  }
0x6c: {  	v15 =	vld [tilespmem:s22+$0xB0]  }
0x6d: {  	v16 =	vld [tilespmem:s22+$0xC0]  }
0x6e: {  	[tilespmem:s22+$0x20] =	vst v8;
	v2 =	vmul.f32 v1, v2;
	v42 =	vld [tilespmem:s22+$0xD0]  }
0x6f: {  	v43 =	vld [tilespmem:s22+$0xE0];
	[tilespmem:s22+$0x30] =	vst v9;
	v3 =	vmul.f32 v1, v3  }
0x70: {  	s24 =	sadd.s32 $0x200, s22;
	v45 =	vld.idx.msk [tilespmem:v5+s4+$0x0], $0xffff;
	[tilespmem:s22+$0x40] =	vst v2;
	v44 =	vmul.f32 v1, v4  }
0x71: {  	v51 =	vld [tilespmem:s24+$0xF0];
	[tilespmem:s22+$0x50] =	vst v3;
	v46 =	vmul.f32 v1, v6  }
0x72: {  	v53 =	vld [tilespmem:s24+$0xFFFFFF00];
	[tilespmem:s22+$0x60] =	vst v44;
	v48 =	vmul.f32 v0, v7  }
0x73: {  	v55 =	vld [tilespmem:s24+$0xFFFFFF10];
	[tilespmem:s22+$0x70] =	vst v46;
	v49 =	vmul.f32 v0, v13  }
0x74: {  	v57 =	vld [tilespmem:s24+$0xFFFFFF20];
	v50 =	vmul.f32 v0, v14;
	[tilespmem:s22+$0x80] =	vst v48  }
0x75: {  	v11 =	vbroadcast v11, $0x0;
	v59 =	vld [tilespmem:s24+$0xFFFFFF30];
	v52 =	vmul.f32 v0, v15;
	[tilespmem:s22+$0x90] =	vst v49  }
0x76: {  	v60 =	vld [tilespmem:s24+$0xFFFFFF40];
	v54 =	vmul.f32 v0, v16;
	[tilespmem:s22+$0xA0] =	vst v50  }
0x77: {  	v62 =	vld [tilespmem:s24+$0xFFFFFF50];
	v56 =	vmul.f32 v0, v42;
	[tilespmem:s23+$0xB0] =	vst v52  }
0x78: {  	v17 =	vld [tilespmem:s24+$0xFFFFFF90];
	v58 =	vmul.f32 v0, v43;
	[tilespmem:s23+$0xC0] =	vst v54  }
0x79: {  	v14 =	vld [tilespmem:s24+$0xFFFFFF70];
	v61 =	vmul.f32 v45, v53;
	[tilespmem:s23+$0xD0] =	vst v56  }
0x7a: {  	v15 =	vld [tilespmem:s24+$0xFFFFFF80];
	v63 =	vmul.f32 v45, v55;
	[tilespmem:s23+$0xE0] =	vst v58  }
0x7b: {  	v47 =	vld.idx.msk [tilespmem:v11+s4+$0x0], $0xffff;
	v13 =	vmul.f32 v45, v57;
	[tilespmem:s24+$0xFFFFFF00] =	vst v61  }
0x7c: {  	v10 =	vor.u32 $0x100, v10;
	v19 =	vld [tilespmem:s24+$0xFFFFFFA0];
	v2 =	vmul.f32 v45, v59;
	[tilespmem:s24+$0xFFFFFF10] =	vst v63  }
0x7d: {  	v10 =	vbroadcast v10, $0x0;
	v21 =	vld [tilespmem:s24+$0xFFFFFFB0];
	v16 =	vmul.f32 v45, v60;
	[tilespmem:s24+$0xFFFFFF20] =	vst v13  }
0x7e: {  	v23 =	vld [tilespmem:s24+$0xFFFFFFC0];
	v18 =	vmul.f32 v45, v62;
	[tilespmem:s24+$0xFFFFFF30] =	vst v2  }
0x7f: {  	v25 =	vld [tilespmem:s24+$0xFFFFFFD0];
	[tilespmem:s24+$0xFFFFFF40] =	vst v16;
	v22 =	vmul.f32 v45, v14  }
0x80: {  	v12 =	vmov s25;
	v26 =	vld [tilespmem:s24+$0xFFFFFFE0];
	[tilespmem:s24+$0xFFFFFF50] =	vst v18;
	v24 =	vmul.f32 v47, v15  }
0x81: {  	v12 =	vand.u32 $0x7F, v12;
	v28 =	vld [tilespmem:s24+$0xFFFFFFF0];
	v1 =	vmul.f32 v47, v17;
	[tilespmem:s24+$0xFFFFFF70] =	vst v22  }
0x82: {  	v30 =	vld [tilespmem:s24+$0x0];
	v12 =	vor.u32 $0x100, v12;
	v27 =	vmul.f32 v47, v19;
	[tilespmem:s24+$0xFFFFFF80] =	vst v24  }
0x83: {  	v12 =	vbroadcast v12, $0x0;
	v5 =	vld.idx.msk [tilespmem:v10+s4+$0x0], $0xffff;
	v29 =	vmul.f32 v47, v21;
	[tilespmem:s24+$0xFFFFFF90] =	vst v1  }
0x84: {  	v32 =	vld [tilespmem:s24+$0x10];
	v31 =	vmul.f32 v47, v23;
	[tilespmem:s24+$0xFFFFFFA0] =	vst v27  }
0x85: {  	v34 =	vld [tilespmem:s24+$0x20];
	v33 =	vmul.f32 v47, v25;
	[tilespmem:s24+$0xFFFFFFB0] =	vst v29  }
0x86: {  	v38 =	vld [tilespmem:s24+$0x40];
	v35 =	vmul.f32 v47, v26;
	[tilespmem:s24+$0xFFFFFFC0] =	vst v31  }
0x87: {  	v40 =	vld [tilespmem:s24+$0x50];
	v37 =	vmul.f32 v47, v28;
	[tilespmem:s24+$0xFFFFFFD0] =	vst v33  }
0x88: {  	v44 =	vld [tilespmem:s24+$0x70];
	v39 =	vmul.f32 v5, v30;
	[tilespmem:s24+$0xFFFFFFE0] =	vst v35  }
0x89: {  	v6 =	vld.idx.msk [tilespmem:v12+s4+$0x0], $0xffff;
	v41 =	vmul.f32 v5, v32;
	[tilespmem:s24+$0xFFFFFFF0] =	vst v37  }
0x8a: {  	v12 =	vld [tilespmem:s24+$0xFFFFFF60];
	v43 =	vmul.f32 v5, v34;
	[tilespmem:s24+$0x0] =	vst v39  }
0x8b: {  	v36 =	vld [tilespmem:s24+$0x30];
	v47 =	vmul.f32 v5, v38;
	[tilespmem:s24+$0x10] =	vst v41  }
0x8c: {  	v42 =	vld [tilespmem:s24+$0x60];
	v49 =	vmul.f32 v5, v40;
	[tilespmem:s24+$0x20] =	vst v43  }
0x8d: {  	v46 =	vld [tilespmem:s24+$0x80];
	v53 =	vmul.f32 v5, v44;
	[tilespmem:s24+$0x40] =	vst v47  }
0x8e: {  	v48 =	vld [tilespmem:s24+$0x90];
	v7 =	vmul.f32 v6, v51;
	[tilespmem:s24+$0x50] =	vst v49  }
0x8f: {  	v50 =	vld [tilespmem:s24+$0xA0];
	v20 =	vmul.f32 v45, v12;
	[tilespmem:s24+$0x70] =	vst v53  }
0x90: {  	v52 =	vld [tilespmem:s24+$0xB0];
	v45 =	vmul.f32 v5, v36;
	[tilespmem:s24+$0xF0] =	vst v7  }
0x91: {  	v54 =	vld [tilespmem:s24+$0xC0];
	v51 =	vmul.f32 v5, v42;
	[tilespmem:s24+$0xFFFFFF60] =	vst v20  }
0x92: {  	v56 =	vld [tilespmem:s24+$0xD0];
	v55 =	vmul.f32 v6, v46;
	[tilespmem:s24+$0x30] =	vst v45  }
0x93: {  	v58 =	vld [tilespmem:s24+$0xE0];
	v57 =	vmul.f32 v6, v48;
	[tilespmem:s24+$0x60] =	vst v51  }
0x94: {  	v59 =	vmul.f32 v6, v50;
	[tilespmem:s24+$0x80] =	vst v55  }
0x95: {  	v60 =	vmul.f32 v6, v52;
	[tilespmem:s24+$0x90] =	vst v57  }
0x96: {  	v61 =	vmul.f32 v6, v54;
	[tilespmem:s24+$0xA0] =	vst v59  }
0x97: {  	v62 =	vmul.f32 v6, v56;
	[tilespmem:s24+$0xB0] =	vst v60  }
0x98: {  	s21 =	sadd.s32 $0x1, s21;
	v63 =	vmul.f32 v6, v58;
	[tilespmem:s24+$0xC0] =	vst v61  }
0x99: {  	p1 =	sne.s32 s21, s9;
	[tilespmem:s24+$0xD0] =	vst v62  }
.Ltmp1:
0x9a: {  	[tilespmem:s24+$0xE0] =	vst v63;
	(pc) =	sbr.rel @p1 .LBB2_2-.Ltmp1, $4  }
0x9b: {  	[spmem:s3] =	stream.indirect.scatter.add.f32 [tilespmem:s18], [sflag:$0x2], $0x80, s17, s17, $0xb8;
	[tilespmem:$0x17A80] =	vst v63  }
0x9c: {  	_ =	swait.ge [sflag:s15], $0x4000  }
0x9d: {  	[sflag:s15] =	ssyncset.done $0x0  }
0x9e: {  	[sflag:s15] =	ssyncadd.s32 $0xFFFFC000  }
0x9f: {  	[bflag:$0x0] =	sbarrier.arrive $0xFFFF  }
0xa0: {  	[hbm:s11], [sflag:s7] =	dma.local [spmem:s14], $0x2700  }
0xa1: {  	s20 =	sadd.s32 $0x1, s20;
	_ =	swait.ge [sflag:s15], $0x2700  }
0xa2: {  	p1 =	sne.s32 s20, s13;
	[sflag:s15] =	ssyncset.done $0x0  }
.Ltmp2:
0xa3: {  	s21 =	simm.s32 @!p0 $0x2;
	[sflag:s15] =	ssyncadd.s32 $0xFFFFD900;
	(pc) =	sbr.rel @p1 .LBB2_1-.Ltmp2, $4  }
0xa4: {  	[hbm:s12], [sflag:s7] =	dma.local @!p0 [spmem:s16], $0x100  }
0xa5: {  	_ =	swait.ge @!p0 [sflag:s21], $0x100  }
0xa6: {  	[sflag:s21] =	ssyncset.done @!p0 $0x0  }
0xa7: {  	[sflag:s21] =	ssyncadd.s32 @!p0 $0xFFFFFF00  }
0xa8: {  	_ =	sfence.sel $0x180000  }
0xa9: {  	[bflag:$0x0] =	sbarrier.arrive $0xFFFF  }
0xaa: {  	p0 =	sne.s32 s2, $0x0;
	_ =	strace $0x90000047  }
0xab: {  	s0 =	sadd.s32 @!p0 $0x100000, s0;
	[bflag:$0x2] =	sbarrier.arrive $0xFFFF  }
0xac: {  	[sflag:s0] =	ssyncadd.tile.s32 @!p0 $0x1;
	_ =	shalt  }
.Lfunc_end2:
_tile_overlayer_lowered:
.L_overlay_start_2:
0xad: {  	(tag) =	ssettag $0x2  }
0xae: {  	s0 =	rddreg [dreg:$0x0];
	s2 =	stileid.u32  }
0xaf: {  	s1 =	rddreg [dreg:$0x1];
	p0 =	sne.s32 s2, $0x0  }
0xb0: {  	s3 =	rddreg [dreg:$0x2];
	[bflag:$0x3] =	sbarrier.arrive $0xFFFF;
	s2 =	simm.s32 @!p0 $0x1C02  }
0xb1: {  	[timem:s3], [sflag:s2] =	dma.local @!p0 [hbm:s0], s1  }
0xb2: {  	s0 =	simm.s32 @!p0 $0x2  }
0xb3: {  	_ =	swait.ge @!p0 [sflag:s0], s1  }
0xb4: {  	s1 =	ssub.s32 @!p0 $0x0, s1;
	[sflag:s0] =	ssyncset.done @!p0 $0x0  }
0xb5: {  	[sflag:s0] =	ssyncadd.s32 @!p0 s1  }
0xb6: {  	[bflag:$0x3] =	sbarrier.arrive $0xFFFF  }
0xb7: {  	_ =	shalt  }

</sc_bundles>
